<compile_context>
chip_gen: v7x
topology: tpu7x:2x2x1
jax: 0.10.2.dev20260603
libtpu: 0.0.44.dev20260713+nightly
codegen_flags: <defaults>
</compile_context>

<pallas_src>
import functools

import jax
import jax.numpy as jnp
from jax import lax
from jax.experimental import pallas as pl
from jax.experimental.pallas import tpu as pltpu
from jax.experimental.pallas import tpu_sc as plsc

B = 16384
NCAT = 26
VOCAB = 100000
EMB = 16
NUM_DIM = 13
TAB_IN = NUM_DIM + NCAT * EMB
H1 = 256
H2 = 256
OUT = 128
EPS = 1e-5

NPLANES = NCAT * EMB
RB = NPLANES // 8
NC = 2
NS = 16
NW = NC * NS
PPT = NPLANES // NW
CH = 4096
NCH = B // CH
L = 16
U = 8


def _sc_gather(table3, idx26):
    mesh = plsc.VectorSubcoreMesh(core_axis_name="c", subcore_axis_name="s")

    @functools.partial(
        pl.kernel,
        out_type=jax.ShapeDtypeStruct((NPLANES, B), jnp.float32),
        mesh=mesh,
        scratch_types=[
            pltpu.VMEM((VOCAB,), jnp.float32),
            pltpu.VMEM((2, CH), jnp.int32),
            pltpu.VMEM((B,), jnp.float32),
            pltpu.SemaphoreType.DMA,
            pltpu.SemaphoreType.DMA,
        ],
        compiler_params=pltpu.CompilerParams(
            needs_layout_passes=False,
            disable_bounds_checks=True,
        ),
    )
    def k(table_hbm, idx_hbm, out_hbm, plane_v, idx_v, out_v, semi, semw):
        wid = lax.axis_index("s") * NC + lax.axis_index("c")

        def idx_start(f, c):
            pltpu.async_copy(
                idx_hbm.at[f, pl.ds(c * CH, CH)], idx_v.at[c % 2], semi)

        def idx_wait(f, c):
            pltpu.make_async_copy(
                idx_hbm.at[f, pl.ds(c * CH, CH)], idx_v.at[c % 2], semi).wait()

        def out_wait(plane):
            pltpu.make_async_copy(out_v, out_hbm.at[plane], semw).wait()

        def per_plane(j, carry):
            plane = wid * PPT + j
            rb = plane // 8
            sub = plane % 8
            f = plane // EMB
            pltpu.sync_copy(table_hbm.at[rb, sub], plane_v)
            idx_start(f, 0)

            @pl.when(j > 0)
            def _():
                out_wait(plane - 1)

            def per_chunk(c, carry2):
                idx_wait(f, c)

                @pl.when(c + 1 < NCH)
                def _():
                    idx_start(f, c + 1)

                buf = c % 2

                def per_vec(q, carry3):
                    for u in range(U):
                        o = q * (L * U) + u * L
                        iv = idx_v[buf, pl.ds(o, L)]
                        vals = plsc.load_gather(plane_v, [iv])
                        out_v[pl.ds(c * CH + o, L)] = vals
                    return carry3

                lax.fori_loop(0, CH // (L * U), per_vec, 0)
                return carry2

            lax.fori_loop(0, NCH, per_chunk, 0)
            pltpu.async_copy(out_v, out_hbm.at[plane], semw)
            return carry

        lax.fori_loop(0, PPT, per_plane, 0)
        out_wait(wid * PPT + PPT - 1)

    return k(table3, idx26)


def _mlp_body(nxt_ref, ct_ref, g0n_r, b0n_r, g0c_r, b0c_r, w1n_r, w1c_r, b1_r,
              g1_r, bb1_r, w2_r, b2_r, g2_r, bb2_r, w3_r, b3_r, out_ref):
    f32 = jnp.float32
    pr = lax.Precision.DEFAULT
    dnt = (((0,), (0,)), ((), ()))
    nxt = nxt_ref[...]
    ctt = ct_ref[...]
    s = (jnp.sum(nxt, axis=0, keepdims=True)
         + jnp.sum(ctt, axis=0, keepdims=True))
    ss = (jnp.sum(nxt * nxt, axis=0, keepdims=True)
          + jnp.sum(ctt * ctt, axis=0, keepdims=True))
    m = s * (1.0 / TAB_IN)
    v = ss * (1.0 / TAB_IN) - m * m
    inv = lax.rsqrt(v + EPS)
    ynt = (nxt - m) * inv * g0n_r[...] + b0n_r[...]
    yct = (ctt - m) * inv * g0c_r[...] + b0c_r[...]
    h = (lax.dot_general(ynt, w1n_r[...], dnt, precision=pr,
                         preferred_element_type=f32)
         + lax.dot_general(yct, w1c_r[...], dnt, precision=pr,
                           preferred_element_type=f32)
         + b1_r[...])
    h = h * jax.nn.sigmoid(h)
    m1 = jnp.mean(h, axis=1, keepdims=True)
    v1 = jnp.mean(h * h, axis=1, keepdims=True) - m1 * m1
    h = (h - m1) * lax.rsqrt(v1 + EPS) * g1_r[...] + bb1_r[...]
    h = jnp.dot(h, w2_r[...], preferred_element_type=f32, precision=pr) + b2_r[...]
    h = h * jax.nn.sigmoid(h)
    m2 = jnp.mean(h, axis=1, keepdims=True)
    v2 = jnp.mean(h * h, axis=1, keepdims=True) - m2 * m2
    h = (h - m2) * lax.rsqrt(v2 + EPS) * g2_r[...] + bb2_r[...]
    out_ref[...] = jnp.dot(h, w3_r[...], preferred_element_type=f32, precision=pr) + b3_r[...]


def _mlp(nxt, catT, g0n, b0n, g0c, b0c, W1n, W1c, b1, g1, bb1, W2, b2, g2, bb2, W3, b3):
    R = 512
    grid = (B // R,)
    col_blk = lambda shape: pl.BlockSpec(shape, lambda i: (0, i))
    full = lambda shape: pl.BlockSpec(shape, lambda i: (0, 0))
    return pl.pallas_call(
        _mlp_body,
        grid=grid,
        in_specs=[
            col_blk((NUM_DIM, R)),
            col_blk((NPLANES, R)),
            full((NUM_DIM, 1)), full((NUM_DIM, 1)),
            full((NPLANES, 1)), full((NPLANES, 1)),
            full((NUM_DIM, H1)), full((NPLANES, H1)), full((1, H1)),
            full((1, H1)), full((1, H1)),
            full((H1, H2)), full((1, H2)),
            full((1, H2)), full((1, H2)),
            full((H2, OUT)), full((1, OUT)),
        ],
        out_specs=pl.BlockSpec((R, OUT), lambda i: (i, 0)),
        out_shape=jax.ShapeDtypeStruct((B, OUT), jnp.float32),
        compiler_params=pltpu.CompilerParams(
            dimension_semantics=("arbitrary",),
        ),
    )(nxt, catT, g0n, b0n, g0c, b0c, W1n, W1c, b1, g1, bb1, W2, b2, g2, bb2, W3, b3)


def kernel(numeric_tensor, categorical_idx, tables, ln0_g, ln0_b, W1, b1,
           ln1_g, ln1_b, W2, b2, ln2_g, ln2_b, W3, b3):
    i32 = jnp.int32
    table3 = tables.transpose(0, 2, 1).reshape(RB, 8, VOCAB)
    idx26 = categorical_idx.astype(i32)

    catT = _sc_gather(table3, idx26)

    c1 = lambda a: a.reshape(-1, 1)
    r1 = lambda a: a.reshape(1, -1)
    return _mlp(
        numeric_tensor.T, catT,
        c1(ln0_g[:NUM_DIM]), c1(ln0_b[:NUM_DIM]),
        c1(ln0_g[NUM_DIM:]), c1(ln0_b[NUM_DIM:]),
        W1[:NUM_DIM], W1[NUM_DIM:], r1(b1),
        r1(ln1_g), r1(ln1_b),
        W2, r1(b2),
        r1(ln2_g), r1(ln2_b),
        W3, r1(b3),
    )

# --- scband reference (transcript-rebuilt; emitter-appended) ---
"""Pipeline reference for scband-tabular-encoder-embed-mlp-29738353557630 (READ-ONLY COPY).

The authoritative reference and input builder live on the scoring server;
editing this copy changes nothing except your own understanding.
"""

import jax, jax.numpy as jnp
import numpy as np

B = 16384
NUM_DIM = 13
N_CAT = 26
VOCAB = 100000
EMB = 16
TAB_IN = NUM_DIM + N_CAT * EMB  # 429
H1 = 256
H2 = 256
OUT = 128

def setup_inputs(seed: int = 0) -> dict:
    key = jax.random.key(seed)
    ks = jax.random.split(key, 16)
    numeric_tensor = jax.random.normal(ks[0], (B, NUM_DIM), dtype=jnp.float32)
    categorical_idx = jax.random.randint(ks[1], (N_CAT, B), 0, VOCAB, dtype=jnp.int64 if jax.config.read('jax_enable_x64') else jnp.int32)
    tables = jax.random.normal(ks[2], (N_CAT, VOCAB, EMB), dtype=jnp.float32)
    ln0_g = jnp.ones((TAB_IN,), jnp.float32); ln0_b = jnp.zeros((TAB_IN,), jnp.float32)
    W1 = jax.random.normal(ks[3], (TAB_IN, H1), dtype=jnp.float32) / np.sqrt(TAB_IN)
    b1 = jnp.zeros((H1,), jnp.float32)
    ln1_g = jnp.ones((H1,), jnp.float32); ln1_b = jnp.zeros((H1,), jnp.float32)
    W2 = jax.random.normal(ks[4], (H1, H2), dtype=jnp.float32) / np.sqrt(H1)
    b2 = jnp.zeros((H2,), jnp.float32)
    ln2_g = jnp.ones((H2,), jnp.float32); ln2_b = jnp.zeros((H2,), jnp.float32)
    W3 = jax.random.normal(ks[5], (H2, OUT), dtype=jnp.float32) / np.sqrt(H2)
    b3 = jnp.zeros((OUT,), jnp.float32)
    return {"numeric_tensor": numeric_tensor, "categorical_idx": categorical_idx,
            "tables": tables, "ln0_g": ln0_g, "ln0_b": ln0_b, "W1": W1, "b1": b1,
            "ln1_g": ln1_g, "ln1_b": ln1_b, "W2": W2, "b2": b2,
            "ln2_g": ln2_g, "ln2_b": ln2_b, "W3": W3, "b3": b3}

def _layer_norm(x, g, b, eps=1e-5):
    m = jnp.mean(x, axis=-1, keepdims=True)
    v = jnp.var(x, axis=-1, keepdims=True)
    return (x - m) / jnp.sqrt(v + eps) * g + b

def _silu(x):
    return x * jax.nn.sigmoid(x)

def reference(numeric_tensor, categorical_idx, tables, ln0_g, ln0_b, W1, b1, ln1_g, ln1_b, W2, b2, ln2_g, ln2_b, W3, b3):
    # embedding lookup per field: tables[f][idx[f]] -> [N_CAT, B, EMB]
    cat_vecs = jax.vmap(lambda t, i: jnp.take(t, i, axis=0))(tables, categorical_idx)
    cat = jnp.transpose(cat_vecs, (1, 0, 2)).reshape(numeric_tensor.shape[0], -1)
    x = jnp.concatenate([numeric_tensor, cat], axis=-1)
    # MLP (dropout is identity in eval mode)
    h = _layer_norm(x, ln0_g, ln0_b)
    h = _silu(h @ W1 + b1)
    h = _layer_norm(h, ln1_g, ln1_b)
    h = _silu(h @ W2 + b2)
    h = _layer_norm(h, ln2_g, ln2_b)
    tab_embed = h @ W3 + b3
    return tab_embed

if __name__ == "__main__":
    import jax
    _d = setup_inputs()
    print(jax.jit(kernel)(*tuple(_d.values())))

</pallas_src>

<mosaic_0001>
#map = affine_map<(d0, d1) -> (0, 0, 0)>
#map1 = affine_map<(d0, d1) -> (0, 0)>
module attributes {stable_mosaic.version = 14 : i64} {
  func.func @k(%arg0: i32, %arg1: i32, %arg2: memref<52x8x100000xf32, #tpu.memory_space<hbm>>, %arg3: memref<26x16384xi32, #tpu.memory_space<hbm>>, %arg4: memref<416x16384xf32, #tpu.memory_space<hbm>>, %arg5: memref<100000xf32, #tpu.memory_space<vmem>>, %arg6: memref<2x4096xi32, #tpu.memory_space<vmem>>, %arg7: memref<16384xf32, #tpu.memory_space<vmem>>, %arg8: memref<!tpu.dma_semaphore, #tpu.memory_space<semaphore_mem>>, %arg9: memref<!tpu.dma_semaphore, #tpu.memory_space<semaphore_mem>>) attributes {dimension_semantics = [#tpu.dimension_semantics<core_parallel>, #tpu.dimension_semantics<subcore_parallel>], iteration_bounds = array<i64: 2, 16>, scalar_prefetch = 0 : i64, scratch_operands = 5 : i64, tpu.core_type = #tpu.core_type<sc_vector_subcore>, window_params = [{transform_indices = #map}, {transform_indices = #map1}, {transform_indices = #map1}]} {
    %mul3A = arith.constant 2 : i32
    %mul3A_0 = arith.muli %arg1, %mul3A : i32
    %add3A = arith.addi %mul3A_0, %arg0 : i32
    %scan3A = arith.constant 0 : i32
    %scan3A_1 = arith.constant 0 : i32
    %scan3A_2 = arith.constant 13 : i32
    %scan3A_3 = arith.addi %scan3A_1, %scan3A_2 : i32
    %scan3A_4 = arith.constant 1 : i32
    scf.for %scan3A_16 = %scan3A_1 to %scan3A_3 step %scan3A_4  : i32 {
      %mul3A_17 = arith.constant 13 : i32
      %mul3A_18 = arith.muli %add3A, %mul3A_17 : i32
      %add3A_19 = arith.addi %mul3A_18, %scan3A_16 : i32
      %jit3A = arith.constant 8 : i32
      %div3A = arith.divsi %add3A_19, %jit3A : i32
      %sign3A = arith.constant 0 : i32
      %sign3A_20 = arith.cmpi sgt, %add3A_19, %sign3A : i32
      %sign3A_21 = arith.extui %sign3A_20 : i1 to i32
      %sign3A_22 = arith.constant 0 : i32
      %sign3A_23 = arith.cmpi slt, %add3A_19, %sign3A_22 : i32
      %sign3A_24 = arith.extui %sign3A_23 : i1 to i32
      %sign3A_25 = arith.subi %sign3A_21, %sign3A_24 : i32
      %sign3A_26 = arith.constant 0 : i32
      %sign3A_27 = arith.cmpi sgt, %jit3A, %sign3A_26 : i32
      %sign3A_28 = arith.extui %sign3A_27 : i1 to i32
      %sign3A_29 = arith.constant 0 : i32
      %sign3A_30 = arith.cmpi slt, %jit3A, %sign3A_29 : i32
      %sign3A_31 = arith.extui %sign3A_30 : i1 to i32
      %sign3A_32 = arith.subi %sign3A_28, %sign3A_31 : i32
      %ne3A = arith.cmpi ne, %sign3A_25, %sign3A_32 : i32
      %rem3A = arith.remsi %add3A_19, %jit3A : i32
      %ne3A_33 = arith.constant 0 : i32
      %ne3A_34 = arith.cmpi ne, %rem3A, %ne3A_33 : i32
      %and3A = arith.andi %ne3A, %ne3A_34 : i1
      %sub3A_35 = arith.constant 1 : i32
      %sub3A_36 = arith.subi %div3A, %sub3A_35 : i32
      %select_n3A = arith.select %and3A, %sub3A_36, %div3A : i32
      %jit3A_37 = arith.constant 8 : i32
      %eq3A = arith.constant 0 : i32
      %eq3A_38 = arith.cmpi eq, %jit3A_37, %eq3A : i32
      %jit3A_39 = arith.constant 1 : i32
      %select_n3A_40 = arith.select %eq3A_38, %jit3A_39, %jit3A_37 : i32
      %rem3A_41 = arith.remsi %add3A_19, %select_n3A_40 : i32
      %ne3A_42 = arith.constant 0 : i32
      %ne3A_43 = arith.cmpi ne, %rem3A_41, %ne3A_42 : i32
      %lt3A = arith.constant 0 : i32
      %lt3A_44 = arith.cmpi slt, %rem3A_41, %lt3A : i32
      %lt3A_45 = arith.constant 0 : i32
      %lt3A_46 = arith.cmpi slt, %select_n3A_40, %lt3A_45 : i32
      %ne3A_47 = arith.xori %lt3A_44, %lt3A_46 : i1
      %and3A_48 = arith.andi %ne3A_47, %ne3A_43 : i1
      %add3A_49 = arith.addi %rem3A_41, %select_n3A_40 : i32
      %select_n3A_50 = arith.select %and3A_48, %add3A_49, %rem3A_41 : i32
      %jit3A_51 = arith.constant 16 : i32
      %div3A_52 = arith.divsi %add3A_19, %jit3A_51 : i32
      %sign3A_53 = arith.constant 0 : i32
      %sign3A_54 = arith.cmpi sgt, %add3A_19, %sign3A_53 : i32
      %sign3A_55 = arith.extui %sign3A_54 : i1 to i32
      %sign3A_56 = arith.constant 0 : i32
      %sign3A_57 = arith.cmpi slt, %add3A_19, %sign3A_56 : i32
      %sign3A_58 = arith.extui %sign3A_57 : i1 to i32
      %sign3A_59 = arith.subi %sign3A_55, %sign3A_58 : i32
      %sign3A_60 = arith.constant 0 : i32
      %sign3A_61 = arith.cmpi sgt, %jit3A_51, %sign3A_60 : i32
      %sign3A_62 = arith.extui %sign3A_61 : i1 to i32
      %sign3A_63 = arith.constant 0 : i32
      %sign3A_64 = arith.cmpi slt, %jit3A_51, %sign3A_63 : i32
      %sign3A_65 = arith.extui %sign3A_64 : i1 to i32
      %sign3A_66 = arith.subi %sign3A_62, %sign3A_65 : i32
      %ne3A_67 = arith.cmpi ne, %sign3A_59, %sign3A_66 : i32
      %rem3A_68 = arith.remsi %add3A_19, %jit3A_51 : i32
      %ne3A_69 = arith.constant 0 : i32
      %ne3A_70 = arith.cmpi ne, %rem3A_68, %ne3A_69 : i32
      %and3A_71 = arith.andi %ne3A_67, %ne3A_70 : i1
      %sub3A_72 = arith.constant 1 : i32
      %sub3A_73 = arith.subi %div3A_52, %sub3A_72 : i32
      %select_n3A_74 = arith.select %and3A_71, %sub3A_73, %div3A_52 : i32
      "tpu.region"() ({
        %run_scoped3A = tpu.sem_alloc : memref<!tpu.dma_semaphore, #tpu.memory_space<semaphore_mem>>
        %dma_start3A_101 = arith.constant 0 : i32
        %dma_start3A_102 = tpu.memref_slice %arg2[%select_n3A, %select_n3A_50, %dma_start3A_101] : memref<52x8x100000xf32, #tpu.memory_space<hbm>> -> memref<1x1x100000xf32, #tpu.memory_space<hbm>>
        %dma_start3A_103 = tpu.memref_squeeze %dma_start3A_102 : memref<1x1x100000xf32, #tpu.memory_space<hbm>> -> memref<100000xf32, #tpu.memory_space<hbm>>
        %dma_start3A_104 = arith.constant 0 : i32
        %dma_start3A_105 = tpu.memref_slice %arg2[%select_n3A, %select_n3A_50, %dma_start3A_104] : memref<52x8x100000xf32, #tpu.memory_space<hbm>> -> memref<1x1x100000xf32, #tpu.memory_space<hbm>>
        %dma_start3A_106 = tpu.memref_squeeze %dma_start3A_105 : memref<1x1x100000xf32, #tpu.memory_space<hbm>> -> memref<100000xf32, #tpu.memory_space<hbm>>
        tpu.enqueue_dma source(%dma_start3A_106 : memref<100000xf32, #tpu.memory_space<hbm>>) target(%arg5 : memref<100000xf32, #tpu.memory_space<vmem>>) target_semaphore(%run_scoped3A : memref<!tpu.dma_semaphore, #tpu.memory_space<semaphore_mem>>)
        %dma_wait3A_107 = arith.constant 0 : i32
        %dma_wait3A_108 = tpu.memref_slice %arg2[%select_n3A, %select_n3A_50, %dma_wait3A_107] : memref<52x8x100000xf32, #tpu.memory_space<hbm>> -> memref<1x1x100000xf32, #tpu.memory_space<hbm>>
        %dma_wait3A_109 = tpu.memref_squeeze %dma_wait3A_108 : memref<1x1x100000xf32, #tpu.memory_space<hbm>> -> memref<100000xf32, #tpu.memory_space<hbm>>
        %dma_wait3A_110 = arith.constant 0 : i32
        %dma_wait3A_111 = tpu.memref_slice %arg2[%select_n3A, %select_n3A_50, %dma_wait3A_110] : memref<52x8x100000xf32, #tpu.memory_space<hbm>> -> memref<1x1x100000xf32, #tpu.memory_space<hbm>>
        %dma_wait3A_112 = tpu.memref_squeeze %dma_wait3A_111 : memref<1x1x100000xf32, #tpu.memory_space<hbm>> -> memref<100000xf32, #tpu.memory_space<hbm>>
        tpu.wait_dma2 semaphore(%run_scoped3A : memref<!tpu.dma_semaphore, #tpu.memory_space<semaphore_mem>>) src(%dma_wait3A_112 : memref<100000xf32, #tpu.memory_space<hbm>>) dst(%arg5 : memref<100000xf32, #tpu.memory_space<vmem>>)
        tpu.yield
      }) : () -> ()
      %dma_start3A = arith.constant 0 : i32
      %dma_start3A_75 = arith.constant 0 : i32
      %dma_start3A_76 = tpu.memref_slice %arg6[%dma_start3A, %dma_start3A_75] : memref<2x4096xi32, #tpu.memory_space<vmem>> -> memref<1x4096xi32, #tpu.memory_space<vmem>>
      %dma_start3A_77 = tpu.memref_squeeze %dma_start3A_76 : memref<1x4096xi32, #tpu.memory_space<vmem>> -> memref<4096xi32, #tpu.memory_space<vmem>>
      %dma_start3A_78 = arith.constant 0 : i32
      %dma_start3A_79 = tpu.memref_slice %arg3[%select_n3A_74, %dma_start3A_78] : memref<26x16384xi32, #tpu.memory_space<hbm>> -> memref<1x4096xi32, #tpu.memory_space<hbm>>
      %dma_start3A_80 = tpu.memref_squeeze %dma_start3A_79 : memref<1x4096xi32, #tpu.memory_space<hbm>> -> memref<4096xi32, #tpu.memory_space<hbm>>
      %dma_start3A_81 = arith.constant 0 : i32
      %dma_start3A_82 = tpu.memref_slice %arg6[%dma_start3A, %dma_start3A_81] : memref<2x4096xi32, #tpu.memory_space<vmem>> -> memref<1x4096xi32, #tpu.memory_space<vmem>>
      %dma_start3A_83 = tpu.memref_squeeze %dma_start3A_82 : memref<1x4096xi32, #tpu.memory_space<vmem>> -> memref<4096xi32, #tpu.memory_space<vmem>>
      %dma_start3A_84 = arith.constant 0 : i32
      %dma_start3A_85 = tpu.memref_slice %arg3[%select_n3A_74, %dma_start3A_84] : memref<26x16384xi32, #tpu.memory_space<hbm>> -> memref<1x4096xi32, #tpu.memory_space<hbm>>
      %dma_start3A_86 = tpu.memref_squeeze %dma_start3A_85 : memref<1x4096xi32, #tpu.memory_space<hbm>> -> memref<4096xi32, #tpu.memory_space<hbm>>
      tpu.enqueue_dma source(%dma_start3A_86 : memref<4096xi32, #tpu.memory_space<hbm>>) target(%dma_start3A_83 : memref<4096xi32, #tpu.memory_space<vmem>>) target_semaphore(%arg8 : memref<!tpu.dma_semaphore, #tpu.memory_space<semaphore_mem>>)
      %gt3A = arith.constant 0 : i32
      %gt3A_87 = arith.cmpi sgt, %scan3A_16, %gt3A : i32
      %convert_element_type3A = arith.extui %gt3A_87 : i1 to i32
      %cond3A = arith.constant 0 : i32
      %cond3A_88 = arith.cmpi ne, %convert_element_type3A, %cond3A : i32
      scf.if %cond3A_88 {
        %sub3A_101 = arith.constant 1 : i32
        %sub3A_102 = arith.subi %add3A_19, %sub3A_101 : i32
        %dma_wait3A_103 = arith.constant 0 : i32
        %dma_wait3A_104 = tpu.memref_slice %arg4[%sub3A_102, %dma_wait3A_103] : memref<416x16384xf32, #tpu.memory_space<hbm>> -> memref<1x16384xf32, #tpu.memory_space<hbm>>
        %dma_wait3A_105 = tpu.memref_squeeze %dma_wait3A_104 : memref<1x16384xf32, #tpu.memory_space<hbm>> -> memref<16384xf32, #tpu.memory_space<hbm>>
        %dma_wait3A_106 = arith.constant 0 : i32
        %dma_wait3A_107 = tpu.memref_slice %arg4[%sub3A_102, %dma_wait3A_106] : memref<416x16384xf32, #tpu.memory_space<hbm>> -> memref<1x16384xf32, #tpu.memory_space<hbm>>
        %dma_wait3A_108 = tpu.memref_squeeze %dma_wait3A_107 : memref<1x16384xf32, #tpu.memory_space<hbm>> -> memref<16384xf32, #tpu.memory_space<hbm>>
        tpu.wait_dma2 semaphore(%arg9 : memref<!tpu.dma_semaphore, #tpu.memory_space<semaphore_mem>>) src(%arg7 : memref<16384xf32, #tpu.memory_space<vmem>>) dst(%dma_wait3A_108 : memref<16384xf32, #tpu.memory_space<hbm>>)
      } else {
      }
      %scan3A_89 = arith.constant 0 : i32
      %scan3A_90 = arith.constant 0 : i32
      %scan3A_91 = arith.constant 4 : i32
      %scan3A_92 = arith.addi %scan3A_90, %scan3A_91 : i32
      %scan3A_93 = arith.constant 1 : i32
      scf.for %scan3A_101 = %scan3A_90 to %scan3A_92 step %scan3A_93  : i32 {
        %mul3A_102 = arith.constant 4096 : i32
        %mul3A_103 = arith.muli %scan3A_101, %mul3A_102 : i32
        %jit3A_104 = arith.constant 2 : i32
        %eq3A_105 = arith.constant 0 : i32
        %eq3A_106 = arith.cmpi eq, %jit3A_104, %eq3A_105 : i32
        %jit3A_107 = arith.constant 1 : i32
        %select_n3A_108 = arith.select %eq3A_106, %jit3A_107, %jit3A_104 : i32
        %rem3A_109 = arith.remsi %scan3A_101, %select_n3A_108 : i32
        %ne3A_110 = arith.constant 0 : i32
        %ne3A_111 = arith.cmpi ne, %rem3A_109, %ne3A_110 : i32
        %lt3A_112 = arith.constant 0 : i32
        %lt3A_113 = arith.cmpi slt, %rem3A_109, %lt3A_112 : i32
        %lt3A_114 = arith.constant 0 : i32
        %lt3A_115 = arith.cmpi slt, %select_n3A_108, %lt3A_114 : i32
        %ne3A_116 = arith.xori %lt3A_113, %lt3A_115 : i1
        %and3A_117 = arith.andi %ne3A_116, %ne3A_111 : i1
        %add3A_118 = arith.addi %rem3A_109, %select_n3A_108 : i32
        %select_n3A_119 = arith.select %and3A_117, %add3A_118, %rem3A_109 : i32
        %dma_wait3A_120 = arith.constant 0 : i32
        %dma_wait3A_121 = tpu.memref_slice %arg6[%select_n3A_119, %dma_wait3A_120] : memref<2x4096xi32, #tpu.memory_space<vmem>> -> memref<1x4096xi32, #tpu.memory_space<vmem>>
        %dma_wait3A_122 = tpu.memref_squeeze %dma_wait3A_121 : memref<1x4096xi32, #tpu.memory_space<vmem>> -> memref<4096xi32, #tpu.memory_space<vmem>>
        %dma_wait3A_123 = tpu.memref_slice %arg3[%select_n3A_74, %mul3A_103] : memref<26x16384xi32, #tpu.memory_space<hbm>> -> memref<1x4096xi32, #tpu.memory_space<hbm>>
        %dma_wait3A_124 = tpu.memref_squeeze %dma_wait3A_123 : memref<1x4096xi32, #tpu.memory_space<hbm>> -> memref<4096xi32, #tpu.memory_space<hbm>>
        %dma_wait3A_125 = arith.constant 0 : i32
        %dma_wait3A_126 = tpu.memref_slice %arg6[%select_n3A_119, %dma_wait3A_125] : memref<2x4096xi32, #tpu.memory_space<vmem>> -> memref<1x4096xi32, #tpu.memory_space<vmem>>
        %dma_wait3A_127 = tpu.memref_squeeze %dma_wait3A_126 : memref<1x4096xi32, #tpu.memory_space<vmem>> -> memref<4096xi32, #tpu.memory_space<vmem>>
        %dma_wait3A_128 = tpu.memref_slice %arg3[%select_n3A_74, %mul3A_103] : memref<26x16384xi32, #tpu.memory_space<hbm>> -> memref<1x4096xi32, #tpu.memory_space<hbm>>
        %dma_wait3A_129 = tpu.memref_squeeze %dma_wait3A_128 : memref<1x4096xi32, #tpu.memory_space<hbm>> -> memref<4096xi32, #tpu.memory_space<hbm>>
        tpu.wait_dma2 semaphore(%arg8 : memref<!tpu.dma_semaphore, #tpu.memory_space<semaphore_mem>>) src(%dma_wait3A_129 : memref<4096xi32, #tpu.memory_space<hbm>>) dst(%dma_wait3A_127 : memref<4096xi32, #tpu.memory_space<vmem>>)
        %add3A_130 = arith.constant 1 : i32
        %add3A_131 = arith.addi %scan3A_101, %add3A_130 : i32
        %lt3A_132 = arith.constant 4 : i32
        %lt3A_133 = arith.cmpi slt, %add3A_131, %lt3A_132 : i32
        %convert_element_type3A_134 = arith.extui %lt3A_133 : i1 to i32
        %cond3A_135 = arith.constant 0 : i32
        %cond3A_136 = arith.cmpi ne, %convert_element_type3A_134, %cond3A_135 : i32
        scf.if %cond3A_136 {
          %add3A_159 = arith.constant 1 : i32
          %add3A_160 = arith.addi %scan3A_101, %add3A_159 : i32
          %mul3A_161 = arith.constant 4096 : i32
          %mul3A_162 = arith.muli %add3A_160, %mul3A_161 : i32
          %jit3A_163 = arith.constant 2 : i32
          %eq3A_164 = arith.constant 0 : i32
          %eq3A_165 = arith.cmpi eq, %jit3A_163, %eq3A_164 : i32
          %jit3A_166 = arith.constant 1 : i32
          %select_n3A_167 = arith.select %eq3A_165, %jit3A_166, %jit3A_163 : i32
          %rem3A_168 = arith.remsi %add3A_160, %select_n3A_167 : i32
          %ne3A_169 = arith.constant 0 : i32
          %ne3A_170 = arith.cmpi ne, %rem3A_168, %ne3A_169 : i32
          %lt3A_171 = arith.constant 0 : i32
          %lt3A_172 = arith.cmpi slt, %rem3A_168, %lt3A_171 : i32
          %lt3A_173 = arith.constant 0 : i32
          %lt3A_174 = arith.cmpi slt, %select_n3A_167, %lt3A_173 : i32
          %ne3A_175 = arith.xori %lt3A_172, %lt3A_174 : i1
          %and3A_176 = arith.andi %ne3A_175, %ne3A_170 : i1
          %add3A_177 = arith.addi %rem3A_168, %select_n3A_167 : i32
          %select_n3A_178 = arith.select %and3A_176, %add3A_177, %rem3A_168 : i32
          %dma_start3A_179 = arith.constant 0 : i32
          %dma_start3A_180 = tpu.memref_slice %arg6[%select_n3A_178, %dma_start3A_179] : memref<2x4096xi32, #tpu.memory_space<vmem>> -> memref<1x4096xi32, #tpu.memory_space<vmem>>
          %dma_start3A_181 = tpu.memref_squeeze %dma_start3A_180 : memref<1x4096xi32, #tpu.memory_space<vmem>> -> memref<4096xi32, #tpu.memory_space<vmem>>
          %dma_start3A_182 = tpu.memref_slice %arg3[%select_n3A_74, %mul3A_162] : memref<26x16384xi32, #tpu.memory_space<hbm>> -> memref<1x4096xi32, #tpu.memory_space<hbm>>
          %dma_start3A_183 = tpu.memref_squeeze %dma_start3A_182 : memref<1x4096xi32, #tpu.memory_space<hbm>> -> memref<4096xi32, #tpu.memory_space<hbm>>
          %dma_start3A_184 = arith.constant 0 : i32
          %dma_start3A_185 = tpu.memref_slice %arg6[%select_n3A_178, %dma_start3A_184] : memref<2x4096xi32, #tpu.memory_space<vmem>> -> memref<1x4096xi32, #tpu.memory_space<vmem>>
          %dma_start3A_186 = tpu.memref_squeeze %dma_start3A_185 : memref<1x4096xi32, #tpu.memory_space<vmem>> -> memref<4096xi32, #tpu.memory_space<vmem>>
          %dma_start3A_187 = tpu.memref_slice %arg3[%select_n3A_74, %mul3A_162] : memref<26x16384xi32, #tpu.memory_space<hbm>> -> memref<1x4096xi32, #tpu.memory_space<hbm>>
          %dma_start3A_188 = tpu.memref_squeeze %dma_start3A_187 : memref<1x4096xi32, #tpu.memory_space<hbm>> -> memref<4096xi32, #tpu.memory_space<hbm>>
          tpu.enqueue_dma source(%dma_start3A_188 : memref<4096xi32, #tpu.memory_space<hbm>>) target(%dma_start3A_186 : memref<4096xi32, #tpu.memory_space<vmem>>) target_semaphore(%arg8 : memref<!tpu.dma_semaphore, #tpu.memory_space<semaphore_mem>>)
        } else {
        }
        %jit3A_137 = arith.constant 2 : i32
        %eq3A_138 = arith.constant 0 : i32
        %eq3A_139 = arith.cmpi eq, %jit3A_137, %eq3A_138 : i32
        %jit3A_140 = arith.constant 1 : i32
        %select_n3A_141 = arith.select %eq3A_139, %jit3A_140, %jit3A_137 : i32
        %rem3A_142 = arith.remsi %scan3A_101, %select_n3A_141 : i32
        %ne3A_143 = arith.constant 0 : i32
        %ne3A_144 = arith.cmpi ne, %rem3A_142, %ne3A_143 : i32
        %lt3A_145 = arith.constant 0 : i32
        %lt3A_146 = arith.cmpi slt, %rem3A_142, %lt3A_145 : i32
        %lt3A_147 = arith.constant 0 : i32
        %lt3A_148 = arith.cmpi slt, %select_n3A_141, %lt3A_147 : i32
        %ne3A_149 = arith.xori %lt3A_146, %lt3A_148 : i1
        %and3A_150 = arith.andi %ne3A_149, %ne3A_144 : i1
        %add3A_151 = arith.addi %rem3A_142, %select_n3A_141 : i32
        %select_n3A_152 = arith.select %and3A_150, %add3A_151, %rem3A_142 : i32
        %scan3A_153 = arith.constant 0 : i32
        %scan3A_154 = arith.constant 0 : i32
        %scan3A_155 = arith.constant 32 : i32
        %scan3A_156 = arith.addi %scan3A_154, %scan3A_155 : i32
        %scan3A_157 = arith.constant 1 : i32
        scf.for %scan3A_159 = %scan3A_154 to %scan3A_156 step %scan3A_157  : i32 {
          %mul3A_160 = arith.constant 128 : i32
          %mul3A_161 = arith.muli %scan3A_159, %mul3A_160 : i32
          %add3A_162 = arith.constant 0 : i32
          %add3A_163 = arith.addi %mul3A_161, %add3A_162 : i32
          %get3A = arith.index_cast %select_n3A_152 : i32 to index
          %get3A_164 = arith.index_cast %add3A_163 : i32 to index
          %get3A_165 = tpu.vector_load %arg6[%get3A, %get3A_164] {strides = array<i32>} : memref<2x4096xi32, #tpu.memory_space<vmem>>, vector<16xi32>,
          %gather3A = tpu.vector_load_idx %arg5[%get3A_165] : memref<100000xf32, #tpu.memory_space<vmem>>[vector<16xi32>], vector<16xf32>,
          %mul3A_166 = arith.constant 4096 : i32
          %mul3A_167 = arith.muli %scan3A_101, %mul3A_166 : i32
          %add3A_168 = arith.addi %mul3A_167, %add3A_163 : i32
          %swap3A = arith.index_cast %add3A_168 : i32 to index
          %swap3A_169 = tpu.vector_load %arg7[%swap3A] {strides = array<i32>} : memref<16384xf32, #tpu.memory_space<vmem>>, vector<16xf32>,
          tpu.vector_store %arg7[%swap3A], %gather3A {strides = array<i32>} : memref<16384xf32, #tpu.memory_space<vmem>>, vector<16xf32>,
          %mul3A_170 = arith.constant 128 : i32
          %mul3A_171 = arith.muli %scan3A_159, %mul3A_170 : i32
          %add3A_172 = arith.constant 16 : i32
          %add3A_173 = arith.addi %mul3A_171, %add3A_172 : i32
          %get3A_174 = arith.index_cast %select_n3A_152 : i32 to index
          %get3A_175 = arith.index_cast %add3A_173 : i32 to index
          %get3A_176 = tpu.vector_load %arg6[%get3A_174, %get3A_175] {strides = array<i32>} : memref<2x4096xi32, #tpu.memory_space<vmem>>, vector<16xi32>,
          %gather3A_177 = tpu.vector_load_idx %arg5[%get3A_176] : memref<100000xf32, #tpu.memory_space<vmem>>[vector<16xi32>], vector<16xf32>,
          %mul3A_178 = arith.constant 4096 : i32
          %mul3A_179 = arith.muli %scan3A_101, %mul3A_178 : i32
          %add3A_180 = arith.addi %mul3A_179, %add3A_173 : i32
          %swap3A_181 = arith.index_cast %add3A_180 : i32 to index
          %swap3A_182 = tpu.vector_load %arg7[%swap3A_181] {strides = array<i32>} : memref<16384xf32, #tpu.memory_space<vmem>>, vector<16xf32>,
          tpu.vector_store %arg7[%swap3A_181], %gather3A_177 {strides = array<i32>} : memref<16384xf32, #tpu.memory_space<vmem>>, vector<16xf32>,
          %mul3A_183 = arith.constant 128 : i32
          %mul3A_184 = arith.muli %scan3A_159, %mul3A_183 : i32
          %add3A_185 = arith.constant 32 : i32
          %add3A_186 = arith.addi %mul3A_184, %add3A_185 : i32
          %get3A_187 = arith.index_cast %select_n3A_152 : i32 to index
          %get3A_188 = arith.index_cast %add3A_186 : i32 to index
          %get3A_189 = tpu.vector_load %arg6[%get3A_187, %get3A_188] {strides = array<i32>} : memref<2x4096xi32, #tpu.memory_space<vmem>>, vector<16xi32>,
          %gather3A_190 = tpu.vector_load_idx %arg5[%get3A_189] : memref<100000xf32, #tpu.memory_space<vmem>>[vector<16xi32>], vector<16xf32>,
          %mul3A_191 = arith.constant 4096 : i32
          %mul3A_192 = arith.muli %scan3A_101, %mul3A_191 : i32
          %add3A_193 = arith.addi %mul3A_192, %add3A_186 : i32
          %swap3A_194 = arith.index_cast %add3A_193 : i32 to index
          %swap3A_195 = tpu.vector_load %arg7[%swap3A_194] {strides = array<i32>} : memref<16384xf32, #tpu.memory_space<vmem>>, vector<16xf32>,
          tpu.vector_store %arg7[%swap3A_194], %gather3A_190 {strides = array<i32>} : memref<16384xf32, #tpu.memory_space<vmem>>, vector<16xf32>,
          %mul3A_196 = arith.constant 128 : i32
          %mul3A_197 = arith.muli %scan3A_159, %mul3A_196 : i32
          %add3A_198 = arith.constant 48 : i32
          %add3A_199 = arith.addi %mul3A_197, %add3A_198 : i32
          %get3A_200 = arith.index_cast %select_n3A_152 : i32 to index
          %get3A_201 = arith.index_cast %add3A_199 : i32 to index
          %get3A_202 = tpu.vector_load %arg6[%get3A_200, %get3A_201] {strides = array<i32>} : memref<2x4096xi32, #tpu.memory_space<vmem>>, vector<16xi32>,
          %gather3A_203 = tpu.vector_load_idx %arg5[%get3A_202] : memref<100000xf32, #tpu.memory_space<vmem>>[vector<16xi32>], vector<16xf32>,
          %mul3A_204 = arith.constant 4096 : i32
          %mul3A_205 = arith.muli %scan3A_101, %mul3A_204 : i32
          %add3A_206 = arith.addi %mul3A_205, %add3A_199 : i32
          %swap3A_207 = arith.index_cast %add3A_206 : i32 to index
          %swap3A_208 = tpu.vector_load %arg7[%swap3A_207] {strides = array<i32>} : memref<16384xf32, #tpu.memory_space<vmem>>, vector<16xf32>,
          tpu.vector_store %arg7[%swap3A_207], %gather3A_203 {strides = array<i32>} : memref<16384xf32, #tpu.memory_space<vmem>>, vector<16xf32>,
          %mul3A_209 = arith.constant 128 : i32
          %mul3A_210 = arith.muli %scan3A_159, %mul3A_209 : i32
          %add3A_211 = arith.constant 64 : i32
          %add3A_212 = arith.addi %mul3A_210, %add3A_211 : i32
          %get3A_213 = arith.index_cast %select_n3A_152 : i32 to index
          %get3A_214 = arith.index_cast %add3A_212 : i32 to index
          %get3A_215 = tpu.vector_load %arg6[%get3A_213, %get3A_214] {strides = array<i32>} : memref<2x4096xi32, #tpu.memory_space<vmem>>, vector<16xi32>,
          %gather3A_216 = tpu.vector_load_idx %arg5[%get3A_215] : memref<100000xf32, #tpu.memory_space<vmem>>[vector<16xi32>], vector<16xf32>,
          %mul3A_217 = arith.constant 4096 : i32
          %mul3A_218 = arith.muli %scan3A_101, %mul3A_217 : i32
          %add3A_219 = arith.addi %mul3A_218, %add3A_212 : i32
          %swap3A_220 = arith.index_cast %add3A_219 : i32 to index
          %swap3A_221 = tpu.vector_load %arg7[%swap3A_220] {strides = array<i32>} : memref<16384xf32, #tpu.memory_space<vmem>>, vector<16xf32>,
          tpu.vector_store %arg7[%swap3A_220], %gather3A_216 {strides = array<i32>} : memref<16384xf32, #tpu.memory_space<vmem>>, vector<16xf32>,
          %mul3A_222 = arith.constant 128 : i32
          %mul3A_223 = arith.muli %scan3A_159, %mul3A_222 : i32
          %add3A_224 = arith.constant 80 : i32
          %add3A_225 = arith.addi %mul3A_223, %add3A_224 : i32
          %get3A_226 = arith.index_cast %select_n3A_152 : i32 to index
          %get3A_227 = arith.index_cast %add3A_225 : i32 to index
          %get3A_228 = tpu.vector_load %arg6[%get3A_226, %get3A_227] {strides = array<i32>} : memref<2x4096xi32, #tpu.memory_space<vmem>>, vector<16xi32>,
          %gather3A_229 = tpu.vector_load_idx %arg5[%get3A_228] : memref<100000xf32, #tpu.memory_space<vmem>>[vector<16xi32>], vector<16xf32>,
          %mul3A_230 = arith.constant 4096 : i32
          %mul3A_231 = arith.muli %scan3A_101, %mul3A_230 : i32
          %add3A_232 = arith.addi %mul3A_231, %add3A_225 : i32
          %swap3A_233 = arith.index_cast %add3A_232 : i32 to index
          %swap3A_234 = tpu.vector_load %arg7[%swap3A_233] {strides = array<i32>} : memref<16384xf32, #tpu.memory_space<vmem>>, vector<16xf32>,
          tpu.vector_store %arg7[%swap3A_233], %gather3A_229 {strides = array<i32>} : memref<16384xf32, #tpu.memory_space<vmem>>, vector<16xf32>,
          %mul3A_235 = arith.constant 128 : i32
          %mul3A_236 = arith.muli %scan3A_159, %mul3A_235 : i32
          %add3A_237 = arith.constant 96 : i32
          %add3A_238 = arith.addi %mul3A_236, %add3A_237 : i32
          %get3A_239 = arith.index_cast %select_n3A_152 : i32 to index
          %get3A_240 = arith.index_cast %add3A_238 : i32 to index
          %get3A_241 = tpu.vector_load %arg6[%get3A_239, %get3A_240] {strides = array<i32>} : memref<2x4096xi32, #tpu.memory_space<vmem>>, vector<16xi32>,
          %gather3A_242 = tpu.vector_load_idx %arg5[%get3A_241] : memref<100000xf32, #tpu.memory_space<vmem>>[vector<16xi32>], vector<16xf32>,
          %mul3A_243 = arith.constant 4096 : i32
          %mul3A_244 = arith.muli %scan3A_101, %mul3A_243 : i32
          %add3A_245 = arith.addi %mul3A_244, %add3A_238 : i32
          %swap3A_246 = arith.index_cast %add3A_245 : i32 to index
          %swap3A_247 = tpu.vector_load %arg7[%swap3A_246] {strides = array<i32>} : memref<16384xf32, #tpu.memory_space<vmem>>, vector<16xf32>,
          tpu.vector_store %arg7[%swap3A_246], %gather3A_242 {strides = array<i32>} : memref<16384xf32, #tpu.memory_space<vmem>>, vector<16xf32>,
          %mul3A_248 = arith.constant 128 : i32
          %mul3A_249 = arith.muli %scan3A_159, %mul3A_248 : i32
          %add3A_250 = arith.constant 112 : i32
          %add3A_251 = arith.addi %mul3A_249, %add3A_250 : i32
          %get3A_252 = arith.index_cast %select_n3A_152 : i32 to index
          %get3A_253 = arith.index_cast %add3A_251 : i32 to index
          %get3A_254 = tpu.vector_load %arg6[%get3A_252, %get3A_253] {strides = array<i32>} : memref<2x4096xi32, #tpu.memory_space<vmem>>, vector<16xi32>,
          %gather3A_255 = tpu.vector_load_idx %arg5[%get3A_254] : memref<100000xf32, #tpu.memory_space<vmem>>[vector<16xi32>], vector<16xf32>,
          %mul3A_256 = arith.constant 4096 : i32
          %mul3A_257 = arith.muli %scan3A_101, %mul3A_256 : i32
          %add3A_258 = arith.addi %mul3A_257, %add3A_251 : i32
          %swap3A_259 = arith.index_cast %add3A_258 : i32 to index
          %swap3A_260 = tpu.vector_load %arg7[%swap3A_259] {strides = array<i32>} : memref<16384xf32, #tpu.memory_space<vmem>>, vector<16xf32>,
          tpu.vector_store %arg7[%swap3A_259], %gather3A_255 {strides = array<i32>} : memref<16384xf32, #tpu.memory_space<vmem>>, vector<16xf32>,
        }
        %scan3A_158 = arith.constant 32 : i32
      }
      %scan3A_94 = arith.constant 4 : i32
      %dma_start3A_95 = arith.constant 0 : i32
      %dma_start3A_96 = tpu.memref_slice %arg4[%add3A_19, %dma_start3A_95] : memref<416x16384xf32, #tpu.memory_space<hbm>> -> memref<1x16384xf32, #tpu.memory_space<hbm>>
      %dma_start3A_97 = tpu.memref_squeeze %dma_start3A_96 : memref<1x16384xf32, #tpu.memory_space<hbm>> -> memref<16384xf32, #tpu.memory_space<hbm>>
      %dma_start3A_98 = arith.constant 0 : i32
      %dma_start3A_99 = tpu.memref_slice %arg4[%add3A_19, %dma_start3A_98] : memref<416x16384xf32, #tpu.memory_space<hbm>> -> memref<1x16384xf32, #tpu.memory_space<hbm>>
      %dma_start3A_100 = tpu.memref_squeeze %dma_start3A_99 : memref<1x16384xf32, #tpu.memory_space<hbm>> -> memref<16384xf32, #tpu.memory_space<hbm>>
      tpu.enqueue_dma source(%arg7 : memref<16384xf32, #tpu.memory_space<vmem>>) target(%dma_start3A_100 : memref<16384xf32, #tpu.memory_space<hbm>>) target_semaphore(%arg9 : memref<!tpu.dma_semaphore, #tpu.memory_space<semaphore_mem>>)
    }
    %scan3A_5 = arith.constant 13 : i32
    %mul3A_6 = arith.constant 13 : i32
    %mul3A_7 = arith.muli %add3A, %mul3A_6 : i32
    %add3A_8 = arith.constant 13 : i32
    %add3A_9 = arith.addi %mul3A_7, %add3A_8 : i32
    %sub3A = arith.constant 1 : i32
    %sub3A_10 = arith.subi %add3A_9, %sub3A : i32
    %dma_wait3A = arith.constant 0 : i32
    %dma_wait3A_11 = tpu.memref_slice %arg4[%sub3A_10, %dma_wait3A] : memref<416x16384xf32, #tpu.memory_space<hbm>> -> memref<1x16384xf32, #tpu.memory_space<hbm>>
    %dma_wait3A_12 = tpu.memref_squeeze %dma_wait3A_11 : memref<1x16384xf32, #tpu.memory_space<hbm>> -> memref<16384xf32, #tpu.memory_space<hbm>>
    %dma_wait3A_13 = arith.constant 0 : i32
    %dma_wait3A_14 = tpu.memref_slice %arg4[%sub3A_10, %dma_wait3A_13] : memref<416x16384xf32, #tpu.memory_space<hbm>> -> memref<1x16384xf32, #tpu.memory_space<hbm>>
    %dma_wait3A_15 = tpu.memref_squeeze %dma_wait3A_14 : memref<1x16384xf32, #tpu.memory_space<hbm>> -> memref<16384xf32, #tpu.memory_space<hbm>>
    tpu.wait_dma2 semaphore(%arg9 : memref<!tpu.dma_semaphore, #tpu.memory_space<semaphore_mem>>) src(%arg7 : memref<16384xf32, #tpu.memory_space<vmem>>) dst(%dma_wait3A_15 : memref<16384xf32, #tpu.memory_space<hbm>>)
    return
  }
}

module attributes {stable_mosaic.version = 14 : i64} {
  func.func @_mlp_body(%arg0: i32, %arg1: memref<13x512xf32, #tpu.memory_space<vmem>>, %arg2: memref<416x512xf32, #tpu.memory_space<vmem>>, %arg3: memref<13x1xf32, #tpu.memory_space<vmem>>, %arg4: memref<13x1xf32, #tpu.memory_space<vmem>>, %arg5: memref<416x1xf32, #tpu.memory_space<vmem>>, %arg6: memref<416x1xf32, #tpu.memory_space<vmem>>, %arg7: memref<13x256xf32, #tpu.memory_space<vmem>>, %arg8: memref<416x256xf32, #tpu.memory_space<vmem>>, %arg9: memref<1x256xf32, #tpu.memory_space<vmem>>, %arg10: memref<1x256xf32, #tpu.memory_space<vmem>>, %arg11: memref<1x256xf32, #tpu.memory_space<vmem>>, %arg12: memref<256x256xf32, #tpu.memory_space<vmem>>, %arg13: memref<1x256xf32, #tpu.memory_space<vmem>>, %arg14: memref<1x256xf32, #tpu.memory_space<vmem>>, %arg15: memref<1x256xf32, #tpu.memory_space<vmem>>, %arg16: memref<256x128xf32, #tpu.memory_space<vmem>>, %arg17: memref<1x128xf32, #tpu.memory_space<vmem>>, %arg18: memref<512x128xf32, #tpu.memory_space<vmem>>) attributes {dimension_semantics = [#tpu.dimension_semantics<arbitrary>], iteration_bounds = array<i64: 32>, scalar_prefetch = 0 : i64, scratch_operands = 0 : i64, tpu.core_type = #tpu.core_type<tc>, window_params = [{transform_indices = @transform_0, window_bounds = array<i64: 13, 512>}, {transform_indices = @transform_1, window_bounds = array<i64: 416, 512>}, {pipeline_mode = #tpu.pipeline_mode<synchronous>, transform_indices = @transform_2, window_bounds = array<i64: 13, 1>}, {pipeline_mode = #tpu.pipeline_mode<synchronous>, transform_indices = @transform_3, window_bounds = array<i64: 13, 1>}, {pipeline_mode = #tpu.pipeline_mode<synchronous>, transform_indices = @transform_4, window_bounds = array<i64: 416, 1>}, {pipeline_mode = #tpu.pipeline_mode<synchronous>, transform_indices = @transform_5, window_bounds = array<i64: 416, 1>}, {pipeline_mode = #tpu.pipeline_mode<synchronous>, transform_indices = @transform_6, window_bounds = array<i64: 13, 256>}, {pipeline_mode = #tpu.pipeline_mode<synchronous>, transform_indices = @transform_7, window_bounds = array<i64: 416, 256>}, {pipeline_mode = #tpu.pipeline_mode<synchronous>, transform_indices = @transform_8, window_bounds = array<i64: 1, 256>}, {pipeline_mode = #tpu.pipeline_mode<synchronous>, transform_indices = @transform_9, window_bounds = array<i64: 1, 256>}, {pipeline_mode = #tpu.pipeline_mode<synchronous>, transform_indices = @transform_10, window_bounds = array<i64: 1, 256>}, {pipeline_mode = #tpu.pipeline_mode<synchronous>, transform_indices = @transform_11, window_bounds = array<i64: 256, 256>}, {pipeline_mode = #tpu.pipeline_mode<synchronous>, transform_indices = @transform_12, window_bounds = array<i64: 1, 256>}, {pipeline_mode = #tpu.pipeline_mode<synchronous>, transform_indices = @transform_13, window_bounds = array<i64: 1, 256>}, {pipeline_mode = #tpu.pipeline_mode<synchronous>, transform_indices = @transform_14, window_bounds = array<i64: 1, 256>}, {pipeline_mode = #tpu.pipeline_mode<synchronous>, transform_indices = @transform_15, window_bounds = array<i64: 256, 128>}, {pipeline_mode = #tpu.pipeline_mode<synchronous>, transform_indices = @transform_16, window_bounds = array<i64: 1, 128>}, {transform_indices = @transform_17, window_bounds = array<i64: 512, 128>}]} {
    %get3A = arith.constant 0 : index
    %get3A_0 = arith.constant 0 : index
    %get3A_1 = vector.load %arg1[%get3A, %get3A_0] : memref<13x512xf32, #tpu.memory_space<vmem>>, vector<13x512xf32>
    %get3A_2 = arith.constant 0 : index
    %get3A_3 = arith.constant 0 : index
    %get3A_4 = vector.load %arg2[%get3A_2, %get3A_3] : memref<416x512xf32, #tpu.memory_space<vmem>>, vector<416x512xf32>
    %reduce_sum3A = arith.constant dense<0.000000e+00> : vector<512xf32>
    %reduce_sum3A_5 = vector.multi_reduction <add>, %get3A_1, %reduce_sum3A [0] : vector<13x512xf32> to vector<512xf32>
    %broadcast_in_dim3A = vector.shape_cast %reduce_sum3A_5 : vector<512xf32> to vector<1x512xf32>
    %reduce_sum3A_6 = arith.constant dense<0.000000e+00> : vector<512xf32>
    %reduce_sum3A_7 = vector.multi_reduction <add>, %get3A_4, %reduce_sum3A_6 [0] : vector<416x512xf32> to vector<512xf32>
    %broadcast_in_dim3A_8 = vector.shape_cast %reduce_sum3A_7 : vector<512xf32> to vector<1x512xf32>
    %add3A = arith.addf %broadcast_in_dim3A, %broadcast_in_dim3A_8 : vector<1x512xf32>
    %mul3A = arith.mulf %get3A_1, %get3A_1 : vector<13x512xf32>
    %reduce_sum3A_9 = arith.constant dense<0.000000e+00> : vector<512xf32>
    %reduce_sum3A_10 = vector.multi_reduction <add>, %mul3A, %reduce_sum3A_9 [0] : vector<13x512xf32> to vector<512xf32>
    %broadcast_in_dim3A_11 = vector.shape_cast %reduce_sum3A_10 : vector<512xf32> to vector<1x512xf32>
    %mul3A_12 = arith.mulf %get3A_4, %get3A_4 : vector<416x512xf32>
    %reduce_sum3A_13 = arith.constant dense<0.000000e+00> : vector<512xf32>
    %reduce_sum3A_14 = vector.multi_reduction <add>, %mul3A_12, %reduce_sum3A_13 [0] : vector<416x512xf32> to vector<512xf32>
    %broadcast_in_dim3A_15 = vector.shape_cast %reduce_sum3A_14 : vector<512xf32> to vector<1x512xf32>
    %add3A_16 = arith.addf %broadcast_in_dim3A_11, %broadcast_in_dim3A_15 : vector<1x512xf32>
    %mul3A_17 = arith.constant 0.00233100238 : f32
    %mul3A_18 = vector.broadcast %mul3A_17 : f32 to vector<1x512xf32>
    %mul3A_19 = arith.mulf %add3A, %mul3A_18 : vector<1x512xf32>
    %mul3A_20 = arith.constant 0.00233100238 : f32
    %mul3A_21 = vector.broadcast %mul3A_20 : f32 to vector<1x512xf32>
    %mul3A_22 = arith.mulf %add3A_16, %mul3A_21 : vector<1x512xf32>
    %mul3A_23 = arith.mulf %mul3A_19, %mul3A_19 : vector<1x512xf32>
    %sub3A = arith.subf %mul3A_22, %mul3A_23 : vector<1x512xf32>
    %add3A_24 = arith.constant 9.99999974E-6 : f32
    %add3A_25 = vector.broadcast %add3A_24 : f32 to vector<1x512xf32>
    %add3A_26 = arith.addf %sub3A, %add3A_25 : vector<1x512xf32>
    %rsqrt3A = math.rsqrt %add3A_26 : vector<1x512xf32>
    %sub3A_27 = vector.broadcast %mul3A_19 : vector<1x512xf32> to vector<13x512xf32>
    %sub3A_28 = arith.subf %get3A_1, %sub3A_27 : vector<13x512xf32>
    %mul3A_29 = vector.broadcast %rsqrt3A : vector<1x512xf32> to vector<13x512xf32>
    %mul3A_30 = arith.mulf %sub3A_28, %mul3A_29 : vector<13x512xf32>
    %get3A_31 = arith.constant 0 : index
    %get3A_32 = arith.constant 0 : index
    %get3A_33 = vector.load %arg3[%get3A_31, %get3A_32] : memref<13x1xf32, #tpu.memory_space<vmem>>, vector<13x1xf32>
    %mul3A_34 = vector.broadcast %get3A_33 : vector<13x1xf32> to vector<13x512xf32>
    %mul3A_35 = arith.mulf %mul3A_30, %mul3A_34 : vector<13x512xf32>
    %get3A_36 = arith.constant 0 : index
    %get3A_37 = arith.constant 0 : index
    %get3A_38 = vector.load %arg4[%get3A_36, %get3A_37] : memref<13x1xf32, #tpu.memory_space<vmem>>, vector<13x1xf32>
    %add3A_39 = vector.broadcast %get3A_38 : vector<13x1xf32> to vector<13x512xf32>
    %add3A_40 = arith.addf %mul3A_35, %add3A_39 : vector<13x512xf32>
    %sub3A_41 = vector.broadcast %mul3A_19 : vector<1x512xf32> to vector<416x512xf32>
    %sub3A_42 = arith.subf %get3A_4, %sub3A_41 : vector<416x512xf32>
    %mul3A_43 = vector.broadcast %rsqrt3A : vector<1x512xf32> to vector<416x512xf32>
    %mul3A_44 = arith.mulf %sub3A_42, %mul3A_43 : vector<416x512xf32>
    %get3A_45 = arith.constant 0 : index
    %get3A_46 = arith.constant 0 : index
    %get3A_47 = vector.load %arg5[%get3A_45, %get3A_46] : memref<416x1xf32, #tpu.memory_space<vmem>>, vector<416x1xf32>
    %mul3A_48 = vector.broadcast %get3A_47 : vector<416x1xf32> to vector<416x512xf32>
    %mul3A_49 = arith.mulf %mul3A_44, %mul3A_48 : vector<416x512xf32>
    %get3A_50 = arith.constant 0 : index
    %get3A_51 = arith.constant 0 : index
    %get3A_52 = vector.load %arg6[%get3A_50, %get3A_51] : memref<416x1xf32, #tpu.memory_space<vmem>>, vector<416x1xf32>
    %add3A_53 = vector.broadcast %get3A_52 : vector<416x1xf32> to vector<416x512xf32>
    %add3A_54 = arith.addf %mul3A_49, %add3A_53 : vector<416x512xf32>
    %get3A_55 = arith.constant 0 : index
    %get3A_56 = arith.constant 0 : index
    %get3A_57 = vector.load %arg7[%get3A_55, %get3A_56] : memref<13x256xf32, #tpu.memory_space<vmem>>, vector<13x256xf32>
    %dot_general3A = arith.constant dense<0.000000e+00> : vector<512x256xf32>
    %dot_general3A_58 = tpu.matmul %add3A_40, %get3A_57, %dot_general3A {dimension_numbers = #tpu.dot_dimension_numbers<[0], [0], [1], [1], [0, 1, 1, 1], [], []>, transpose_lhs_hint = false} : vector<13x512xf32>, vector<13x256xf32>, vector<512x256xf32> -> vector<512x256xf32>
    %get3A_59 = arith.constant 0 : index
    %get3A_60 = arith.constant 0 : index
    %get3A_61 = vector.load %arg8[%get3A_59, %get3A_60] : memref<416x256xf32, #tpu.memory_space<vmem>>, vector<416x256xf32>
    %dot_general3A_62 = arith.constant dense<0.000000e+00> : vector<512x256xf32>
    %dot_general3A_63 = tpu.matmul %add3A_54, %get3A_61, %dot_general3A_62 {dimension_numbers = #tpu.dot_dimension_numbers<[0], [0], [1], [1], [0, 1, 1, 1], [], []>, transpose_lhs_hint = false} : vector<416x512xf32>, vector<416x256xf32>, vector<512x256xf32> -> vector<512x256xf32>
    %add3A_64 = arith.addf %dot_general3A_58, %dot_general3A_63 : vector<512x256xf32>
    %get3A_65 = arith.constant 0 : index
    %get3A_66 = arith.constant 0 : index
    %get3A_67 = vector.load %arg9[%get3A_65, %get3A_66] : memref<1x256xf32, #tpu.memory_space<vmem>>, vector<1x256xf32>
    %add3A_68 = vector.broadcast %get3A_67 : vector<1x256xf32> to vector<512x256xf32>
    %add3A_69 = arith.addf %add3A_64, %add3A_68 : vector<512x256xf32>
    %logistic3A = arith.negf %add3A_69 : vector<512x256xf32>
    %logistic3A_70 = math.exp %logistic3A : vector<512x256xf32>
    %logistic3A_71 = arith.constant 1.000000e+00 : f32
    %logistic3A_72 = vector.broadcast %logistic3A_71 : f32 to vector<512x256xf32>
    %logistic3A_73 = arith.addf %logistic3A_72, %logistic3A_70 : vector<512x256xf32>
    %logistic3A_74 = arith.divf %logistic3A_72, %logistic3A_73 : vector<512x256xf32>
    %mul3A_75 = arith.mulf %add3A_69, %logistic3A_74 : vector<512x256xf32>
    %reduce_sum3A_76 = arith.constant dense<0.000000e+00> : vector<512xf32>
    %reduce_sum3A_77 = vector.multi_reduction <add>, %mul3A_75, %reduce_sum3A_76 [1] : vector<512x256xf32> to vector<512xf32>
    %broadcast_in_dim3A_78 = vector.shape_cast %reduce_sum3A_77 : vector<512xf32> to vector<512x1xf32>
    %div3A = arith.constant 2.560000e+02 : f32
    %div3A_79 = vector.broadcast %div3A : f32 to vector<512x1xf32>
    %div3A_80 = arith.divf %broadcast_in_dim3A_78, %div3A_79 : vector<512x1xf32>
    %mul3A_81 = arith.mulf %mul3A_75, %mul3A_75 : vector<512x256xf32>
    %reduce_sum3A_82 = arith.constant dense<0.000000e+00> : vector<512xf32>
    %reduce_sum3A_83 = vector.multi_reduction <add>, %mul3A_81, %reduce_sum3A_82 [1] : vector<512x256xf32> to vector<512xf32>
    %broadcast_in_dim3A_84 = vector.shape_cast %reduce_sum3A_83 : vector<512xf32> to vector<512x1xf32>
    %div3A_85 = arith.constant 2.560000e+02 : f32
    %div3A_86 = vector.broadcast %div3A_85 : f32 to vector<512x1xf32>
    %div3A_87 = arith.divf %broadcast_in_dim3A_84, %div3A_86 : vector<512x1xf32>
    %mul3A_88 = arith.mulf %div3A_80, %div3A_80 : vector<512x1xf32>
    %sub3A_89 = arith.subf %div3A_87, %mul3A_88 : vector<512x1xf32>
    %sub3A_90 = vector.broadcast %div3A_80 : vector<512x1xf32> to vector<512x256xf32>
    %sub3A_91 = arith.subf %mul3A_75, %sub3A_90 : vector<512x256xf32>
    %add3A_92 = arith.constant 9.99999974E-6 : f32
    %add3A_93 = vector.broadcast %add3A_92 : f32 to vector<512x1xf32>
    %add3A_94 = arith.addf %sub3A_89, %add3A_93 : vector<512x1xf32>
    %rsqrt3A_95 = math.rsqrt %add3A_94 : vector<512x1xf32>
    %mul3A_96 = vector.broadcast %rsqrt3A_95 : vector<512x1xf32> to vector<512x256xf32>
    %mul3A_97 = arith.mulf %sub3A_91, %mul3A_96 : vector<512x256xf32>
    %get3A_98 = arith.constant 0 : index
    %get3A_99 = arith.constant 0 : index
    %get3A_100 = vector.load %arg10[%get3A_98, %get3A_99] : memref<1x256xf32, #tpu.memory_space<vmem>>, vector<1x256xf32>
    %mul3A_101 = vector.broadcast %get3A_100 : vector<1x256xf32> to vector<512x256xf32>
    %mul3A_102 = arith.mulf %mul3A_97, %mul3A_101 : vector<512x256xf32>
    %get3A_103 = arith.constant 0 : index
    %get3A_104 = arith.constant 0 : index
    %get3A_105 = vector.load %arg11[%get3A_103, %get3A_104] : memref<1x256xf32, #tpu.memory_space<vmem>>, vector<1x256xf32>
    %add3A_106 = vector.broadcast %get3A_105 : vector<1x256xf32> to vector<512x256xf32>
    %add3A_107 = arith.addf %mul3A_102, %add3A_106 : vector<512x256xf32>
    %get3A_108 = arith.constant 0 : index
    %get3A_109 = arith.constant 0 : index
    %get3A_110 = vector.load %arg12[%get3A_108, %get3A_109] : memref<256x256xf32, #tpu.memory_space<vmem>>, vector<256x256xf32>
    %dot_general3A_111 = arith.constant dense<0.000000e+00> : vector<512x256xf32>
    %dot_general3A_112 = tpu.matmul %add3A_107, %get3A_110, %dot_general3A_111 {dimension_numbers = #tpu.dot_dimension_numbers<[1], [0], [0], [1], [0, 0, 1, 1], [], []>, transpose_lhs_hint = false} : vector<512x256xf32>, vector<256x256xf32>, vector<512x256xf32> -> vector<512x256xf32>
    %get3A_113 = arith.constant 0 : index
    %get3A_114 = arith.constant 0 : index
    %get3A_115 = vector.load %arg13[%get3A_113, %get3A_114] : memref<1x256xf32, #tpu.memory_space<vmem>>, vector<1x256xf32>
    %add3A_116 = vector.broadcast %get3A_115 : vector<1x256xf32> to vector<512x256xf32>
    %add3A_117 = arith.addf %dot_general3A_112, %add3A_116 : vector<512x256xf32>
    %logistic3A_118 = arith.negf %add3A_117 : vector<512x256xf32>
    %logistic3A_119 = math.exp %logistic3A_118 : vector<512x256xf32>
    %logistic3A_120 = arith.constant 1.000000e+00 : f32
    %logistic3A_121 = vector.broadcast %logistic3A_120 : f32 to vector<512x256xf32>
    %logistic3A_122 = arith.addf %logistic3A_121, %logistic3A_119 : vector<512x256xf32>
    %logistic3A_123 = arith.divf %logistic3A_121, %logistic3A_122 : vector<512x256xf32>
    %mul3A_124 = arith.mulf %add3A_117, %logistic3A_123 : vector<512x256xf32>
    %reduce_sum3A_125 = arith.constant dense<0.000000e+00> : vector<512xf32>
    %reduce_sum3A_126 = vector.multi_reduction <add>, %mul3A_124, %reduce_sum3A_125 [1] : vector<512x256xf32> to vector<512xf32>
    %broadcast_in_dim3A_127 = vector.shape_cast %reduce_sum3A_126 : vector<512xf32> to vector<512x1xf32>
    %div3A_128 = arith.constant 2.560000e+02 : f32
    %div3A_129 = vector.broadcast %div3A_128 : f32 to vector<512x1xf32>
    %div3A_130 = arith.divf %broadcast_in_dim3A_127, %div3A_129 : vector<512x1xf32>
    %mul3A_131 = arith.mulf %mul3A_124, %mul3A_124 : vector<512x256xf32>
    %reduce_sum3A_132 = arith.constant dense<0.000000e+00> : vector<512xf32>
    %reduce_sum3A_133 = vector.multi_reduction <add>, %mul3A_131, %reduce_sum3A_132 [1] : vector<512x256xf32> to vector<512xf32>
    %broadcast_in_dim3A_134 = vector.shape_cast %reduce_sum3A_133 : vector<512xf32> to vector<512x1xf32>
    %div3A_135 = arith.constant 2.560000e+02 : f32
    %div3A_136 = vector.broadcast %div3A_135 : f32 to vector<512x1xf32>
    %div3A_137 = arith.divf %broadcast_in_dim3A_134, %div3A_136 : vector<512x1xf32>
    %mul3A_138 = arith.mulf %div3A_130, %div3A_130 : vector<512x1xf32>
    %sub3A_139 = arith.subf %div3A_137, %mul3A_138 : vector<512x1xf32>
    %sub3A_140 = vector.broadcast %div3A_130 : vector<512x1xf32> to vector<512x256xf32>
    %sub3A_141 = arith.subf %mul3A_124, %sub3A_140 : vector<512x256xf32>
    %add3A_142 = arith.constant 9.99999974E-6 : f32
    %add3A_143 = vector.broadcast %add3A_142 : f32 to vector<512x1xf32>
    %add3A_144 = arith.addf %sub3A_139, %add3A_143 : vector<512x1xf32>
    %rsqrt3A_145 = math.rsqrt %add3A_144 : vector<512x1xf32>
    %mul3A_146 = vector.broadcast %rsqrt3A_145 : vector<512x1xf32> to vector<512x256xf32>
    %mul3A_147 = arith.mulf %sub3A_141, %mul3A_146 : vector<512x256xf32>
    %get3A_148 = arith.constant 0 : index
    %get3A_149 = arith.constant 0 : index
    %get3A_150 = vector.load %arg14[%get3A_148, %get3A_149] : memref<1x256xf32, #tpu.memory_space<vmem>>, vector<1x256xf32>
    %mul3A_151 = vector.broadcast %get3A_150 : vector<1x256xf32> to vector<512x256xf32>
    %mul3A_152 = arith.mulf %mul3A_147, %mul3A_151 : vector<512x256xf32>
    %get3A_153 = arith.constant 0 : index
    %get3A_154 = arith.constant 0 : index
    %get3A_155 = vector.load %arg15[%get3A_153, %get3A_154] : memref<1x256xf32, #tpu.memory_space<vmem>>, vector<1x256xf32>
    %add3A_156 = vector.broadcast %get3A_155 : vector<1x256xf32> to vector<512x256xf32>
    %add3A_157 = arith.addf %mul3A_152, %add3A_156 : vector<512x256xf32>
    %get3A_158 = arith.constant 0 : index
    %get3A_159 = arith.constant 0 : index
    %get3A_160 = vector.load %arg16[%get3A_158, %get3A_159] : memref<256x128xf32, #tpu.memory_space<vmem>>, vector<256x128xf32>
    %dot_general3A_161 = arith.constant dense<0.000000e+00> : vector<512x128xf32>
    %dot_general3A_162 = tpu.matmul %add3A_157, %get3A_160, %dot_general3A_161 {dimension_numbers = #tpu.dot_dimension_numbers<[1], [0], [0], [1], [0, 0, 1, 1], [], []>, transpose_lhs_hint = false} : vector<512x256xf32>, vector<256x128xf32>, vector<512x128xf32> -> vector<512x128xf32>
    %get3A_163 = arith.constant 0 : index
    %get3A_164 = arith.constant 0 : index
    %get3A_165 = vector.load %arg17[%get3A_163, %get3A_164] : memref<1x128xf32, #tpu.memory_space<vmem>>, vector<1x128xf32>
    %add3A_166 = vector.broadcast %get3A_165 : vector<1x128xf32> to vector<512x128xf32>
    %add3A_167 = arith.addf %dot_general3A_162, %add3A_166 : vector<512x128xf32>
    %swap3A = arith.constant 0 : index
    %swap3A_168 = arith.constant 0 : index
    %swap3A_169 = vector.load %arg18[%swap3A, %swap3A_168] : memref<512x128xf32, #tpu.memory_space<vmem>>, vector<512x128xf32>
    tpu.vector_store %arg18[%swap3A, %swap3A_168], %add3A_167 {strides = array<i32>} : memref<512x128xf32, #tpu.memory_space<vmem>>, vector<512x128xf32>,
    return
  }
  func.func @transform_0(%arg0: i32) -> (i32, i32) {
    %c0_i32 = arith.constant 0 : i32
    %c0_i32_0 = arith.constant 0 : i32
    return %c0_i32, %arg0 : i32, i32
  }
  func.func @transform_1(%arg0: i32) -> (i32, i32) {
    %c0_i32 = arith.constant 0 : i32
    %c0_i32_0 = arith.constant 0 : i32
    return %c0_i32, %arg0 : i32, i32
  }
  func.func @transform_2(%arg0: i32) -> (i32, i32) {
    %c0_i32 = arith.constant 0 : i32
    %c0_i32_0 = arith.constant 0 : i32
    %c0_i32_1 = arith.constant 0 : i32
    return %c0_i32, %c0_i32_0 : i32, i32
  }
  func.func @transform_3(%arg0: i32) -> (i32, i32) {
    %c0_i32 = arith.constant 0 : i32
    %c0_i32_0 = arith.constant 0 : i32
    %c0_i32_1 = arith.constant 0 : i32
    return %c0_i32, %c0_i32_0 : i32, i32
  }
  func.func @transform_4(%arg0: i32) -> (i32, i32) {
    %c0_i32 = arith.constant 0 : i32
    %c0_i32_0 = arith.constant 0 : i32
    %c0_i32_1 = arith.constant 0 : i32
    return %c0_i32, %c0_i32_0 : i32, i32
  }
  func.func @transform_5(%arg0: i32) -> (i32, i32) {
    %c0_i32 = arith.constant 0 : i32
    %c0_i32_0 = arith.constant 0 : i32
    %c0_i32_1 = arith.constant 0 : i32
    return %c0_i32, %c0_i32_0 : i32, i32
  }
  func.func @transform_6(%arg0: i32) -> (i32, i32) {
    %c0_i32 = arith.constant 0 : i32
    %c0_i32_0 = arith.constant 0 : i32
    %c0_i32_1 = arith.constant 0 : i32
    return %c0_i32, %c0_i32_0 : i32, i32
  }
  func.func @transform_7(%arg0: i32) -> (i32, i32) {
    %c0_i32 = arith.constant 0 : i32
    %c0_i32_0 = arith.constant 0 : i32
    %c0_i32_1 = arith.constant 0 : i32
    return %c0_i32, %c0_i32_0 : i32, i32
  }
  func.func @transform_8(%arg0: i32) -> (i32, i32) {
    %c0_i32 = arith.constant 0 : i32
    %c0_i32_0 = arith.constant 0 : i32
    %c0_i32_1 = arith.constant 0 : i32
    return %c0_i32, %c0_i32_0 : i32, i32
  }
  func.func @transform_9(%arg0: i32) -> (i32, i32) {
    %c0_i32 = arith.constant 0 : i32
    %c0_i32_0 = arith.constant 0 : i32
    %c0_i32_1 = arith.constant 0 : i32
    return %c0_i32, %c0_i32_0 : i32, i32
  }
  func.func @transform_10(%arg0: i32) -> (i32, i32) {
    %c0_i32 = arith.constant 0 : i32
    %c0_i32_0 = arith.constant 0 : i32
    %c0_i32_1 = arith.constant 0 : i32
    return %c0_i32, %c0_i32_0 : i32, i32
  }
  func.func @transform_11(%arg0: i32) -> (i32, i32) {
    %c0_i32 = arith.constant 0 : i32
    %c0_i32_0 = arith.constant 0 : i32
    %c0_i32_1 = arith.constant 0 : i32
    return %c0_i32, %c0_i32_0 : i32, i32
  }
  func.func @transform_12(%arg0: i32) -> (i32, i32) {
    %c0_i32 = arith.constant 0 : i32
    %c0_i32_0 = arith.constant 0 : i32
    %c0_i32_1 = arith.constant 0 : i32
    return %c0_i32, %c0_i32_0 : i32, i32
  }
  func.func @transform_13(%arg0: i32) -> (i32, i32) {
    %c0_i32 = arith.constant 0 : i32
    %c0_i32_0 = arith.constant 0 : i32
    %c0_i32_1 = arith.constant 0 : i32
    return %c0_i32, %c0_i32_0 : i32, i32
  }
  func.func @transform_14(%arg0: i32) -> (i32, i32) {
    %c0_i32 = arith.constant 0 : i32
    %c0_i32_0 = arith.constant 0 : i32
    %c0_i32_1 = arith.constant 0 : i32
    return %c0_i32, %c0_i32_0 : i32, i32
  }
  func.func @transform_15(%arg0: i32) -> (i32, i32) {
    %c0_i32 = arith.constant 0 : i32
    %c0_i32_0 = arith.constant 0 : i32
    %c0_i32_1 = arith.constant 0 : i32
    return %c0_i32, %c0_i32_0 : i32, i32
  }
  func.func @transform_16(%arg0: i32) -> (i32, i32) {
    %c0_i32 = arith.constant 0 : i32
    %c0_i32_0 = arith.constant 0 : i32
    %c0_i32_1 = arith.constant 0 : i32
    return %c0_i32, %c0_i32_0 : i32, i32
  }
  func.func @transform_17(%arg0: i32) -> (i32, i32) {
    %c0_i32 = arith.constant 0 : i32
    %c0_i32_0 = arith.constant 0 : i32
    return %arg0, %c0_i32 : i32, i32
  }
}

</mosaic_0001>

<sc_bundles>
// kernel: kernel.4.cloned.1.call-start
scs
__scs_entry_jumppad:
0x0: {  	(pc) =	sbr.rel $0x88, $3  }
0x1: {  	(tag) =	ssettag $0x0;
	lr =	simm.s32 $0x1  }
0x2: {  	[smem:$0x3F92] =	sst lr;
	_ =	strace $0xD0000000  }
0x3: {  	_ = 	snop  }
0x4: {  	_ = 	snop  }
0x5: {  	_ = 	snop  }
0x6: {  	_ = 	snop  }
0x7: {  	_ = 	snop  }
__scs_overlays_trampoline_lowered:
0x8: {  	[smem:$0x3FA1] =	sst s0  }
0x9: {  	[smem:$0x3FA2] =	sst s1  }
0xa: {  	[smem:$0x3FA3] =	sst s2  }
0xb: {  	[smem:$0x3FA4] =	sst s3  }
0xc: {  	[smem:$0x3FA5] =	sst s4  }
0xd: {  	[smem:$0x3FA6] =	sst s5  }
0xe: {  	[smem:$0x3FA7] =	sst s6  }
0xf: {  	[smem:$0x3FA8] =	sst s7  }
0x10: {  	[smem:$0x3FA9] =	sst s8  }
0x11: {  	[smem:$0x3FAA] =	sst s9;
	s0 =	simm.s32 @!p0 $0x0  }
0x12: {  	s1 =	sld [smem:$0x3F90];
	s0 =	simm.s32 @p0 $0x1  }
0x13: {  	[smem:$0x3FAB] =	sst s0;
	s0 =	simm.s32 @!p1 $0x0  }
0x14: {  	s2 =	sld [smem:$0x3F8F];
	s0 =	simm.s32 @p1 $0x1  }
0x15: {  	[smem:$0x3FAC] =	sst s0;
	s0 =	simm.s32 @!p2 $0x0  }
0x16: {  	s3 =	sld [smem:$0x3FDB];
	s0 =	simm.s32 @p2 $0x1  }
0x17: {  	s4 =	simm.s32 $0x1BF5;
	[smem:$0x3FAE] =	sst s0  }
0x18: {  	s0 =	sld [smem:$0x3F91];
	_ =	swait.ge [sflag:s4], $0x0  }
0x19: {  	s7 =	sld [smem:$0x3F92]  }
0x1a: {  	s8 =	sadd.s32 $0xFFFFE003, lr  }
0x1b: {  	s9 =	sadd.s32 $0xFFFFFEF7, lr;
	s5 =	simm.s32 $0xFFFFFFFF;
	p2 =	slt.u32 s8, $0xFFFFF086  }
0x1c: {  	p1 =	slt.u32 s9, $0xF7A;
	s5 =	simm.s32 @!p2 $0x0  }
0x1d: {  	s5 =	simm.s32 @p1 $0x1;
	p0 =	seq.s32 s7, s2  }
0x1e: {  	s7 =	smul.u32 @!p0 $0xF7A, s2;
	p2 =	seq.s32 @!p0 s5, $0x0  }
0x1f: {  	s9 =	smul.u32 $0xF7A, s1;
	s8 =	simm.s32 @!p0 $0x1BF5;
	p2 =	por !p2, p0  }
0x20: {  	[sflag:s8] =	ssyncset.s32 @!p0 $0xFFFFF086;
	s6 =	sadd.s32 @!p0 s3, s7;
	s7 =	simm.s32 @!p0 $0x108  }
0x21: {  	s3 =	sadd.s32 s3, s9;
	s6 =	sadd.s32 @!p0 $0x88, s6;
	s7 =	simm.s32 @p2 $0x1082  }
0x22: {  	[simem:s7], [sflag:s8] =	dma.local @!p0 [hbm:s6], $0xF7A  }
0x23: {  	s9 =	sor.u32 $0xD0000000, s2;
	s6 =	simm.s32 $0x108;
	_ =	swait.ge @!p0 [sflag:s8], $0x0  }
0x24: {  	s3 =	sadd.s32 $0x88, s3;
	s6 =	simm.s32 @!p1 $0x1082;
	[sflag:s4] =	ssyncset.s32 $0xFFFFF086  }
0x25: {  	[simem:s6], [sflag:s4] =	dma.local [hbm:s3], $0xF7A  }
0x26: {  	[smem:$0x3F92] =	sst s1;
	(tag) =	ssettag s2;
	_ =	strace s9  }
0x27: {  	s1 =	sld [smem:$0x3FA2]  }
0x28: {  	s2 =	sld [smem:$0x3FA3]  }
0x29: {  	s4 =	sld [smem:$0x3FA5]  }
0x2a: {  	p0 =	seq.s32 s5, $0x0;
	s5 =	sld [smem:$0x3FA6]  }
0x2b: {  	s6 =	sld [smem:$0x3FA7]  }
0x2c: {  	s7 =	sld [smem:$0x3FA8]  }
0x2d: {  	s3 =	simm.s32 $0x108;
	s8 =	sld [smem:$0x3FA9]  }
0x2e: {  	s3 =	simm.s32 @!p0 $0x1082;
	s9 =	sld [smem:$0x3FAA]  }
0x2f: {  	lr =	sadd.s32 s0, s3;
	s0 =	sld [smem:$0x3FA1]  }
0x30: {  	s3 =	sld [smem:$0x3FA4]  }
0x31: {  	[smem:$0x3FAD] =	sst s10  }
0x32: {  	s10 =	sld [smem:$0x3FAB];
	_ =	sdelay $0x3  }
0x33: {  	p0 =	seq.s32 s10, $0x1;
	s10 =	sld [smem:$0x3FAD];
	_ =	sdelay $0x3  }
0x34: {  	[smem:$0x3FAD] =	sst s10  }
0x35: {  	s10 =	sld [smem:$0x3FAC];
	_ =	sdelay $0x3  }
0x36: {  	p1 =	seq.s32 s10, $0x1;
	s10 =	sld [smem:$0x3FAD];
	_ =	sdelay $0x3  }
0x37: {  	[smem:$0x3FAD] =	sst s10  }
0x38: {  	s10 =	sld [smem:$0x3FAE]  }
0x39: {  	_ = 	snop;
	(pc) =	sbr.ind lr, $3  }
0x3a: {  	_ = 	snop  }
0x3b: {  	_ = 	snop  }
0x3c: {  	p2 =	seq.s32 s10, $0x1;
	s10 =	sld [smem:$0x3FAD]  }
0x3d: {  	_ =	shalt  }
0x3e: {  	_ =	shalt  }
0x3f: {  	_ =	shalt  }
0x40: {  	_ =	shalt  }
0x41: {  	_ =	shalt  }
0x42: {  	_ =	shalt  }
0x43: {  	_ =	shalt  }
0x44: {  	_ =	shalt  }
0x45: {  	_ =	shalt  }
0x46: {  	_ =	shalt  }
0x47: {  	_ =	shalt  }
0x48: {  	_ =	shalt  }
0x49: {  	_ =	shalt  }
0x4a: {  	_ =	shalt  }
0x4b: {  	_ =	shalt  }
0x4c: {  	_ =	shalt  }
0x4d: {  	_ =	shalt  }
0x4e: {  	_ =	shalt  }
0x4f: {  	_ =	shalt  }
0x50: {  	_ =	shalt  }
0x51: {  	_ =	shalt  }
0x52: {  	_ =	shalt  }
0x53: {  	_ =	shalt  }
0x54: {  	_ =	shalt  }
0x55: {  	_ =	shalt  }
0x56: {  	_ =	shalt  }
0x57: {  	_ =	shalt  }
0x58: {  	_ =	shalt  }
0x59: {  	_ =	shalt  }
0x5a: {  	_ =	shalt  }
0x5b: {  	_ =	shalt  }
0x5c: {  	_ =	shalt  }
0x5d: {  	_ =	shalt  }
0x5e: {  	_ =	shalt  }
0x5f: {  	_ =	shalt  }
0x60: {  	_ =	shalt  }
0x61: {  	_ =	shalt  }
0x62: {  	_ =	shalt  }
0x63: {  	_ =	shalt  }
0x64: {  	_ =	shalt  }
0x65: {  	_ =	shalt  }
0x66: {  	_ =	shalt  }
0x67: {  	_ =	shalt  }
0x68: {  	_ =	shalt  }
0x69: {  	_ =	shalt  }
0x6a: {  	_ =	shalt  }
0x6b: {  	_ =	shalt  }
0x6c: {  	_ =	shalt  }
0x6d: {  	_ =	shalt  }
0x6e: {  	_ =	shalt  }
0x6f: {  	_ =	shalt  }
0x70: {  	_ =	shalt  }
0x71: {  	_ =	shalt  }
0x72: {  	_ =	shalt  }
0x73: {  	_ =	shalt  }
0x74: {  	_ =	shalt  }
0x75: {  	_ =	shalt  }
0x76: {  	_ =	shalt  }
0x77: {  	_ =	shalt  }
0x78: {  	_ =	shalt  }
0x79: {  	_ =	shalt  }
0x7a: {  	_ =	shalt  }
0x7b: {  	_ =	shalt  }
0x7c: {  	_ =	shalt  }
0x7d: {  	_ =	shalt  }
0x7e: {  	_ =	shalt  }
0x7f: {  	_ =	shalt  }
0x80: {  	_ =	shalt  }
0x81: {  	_ =	shalt  }
0x82: {  	_ =	shalt  }
0x83: {  	_ =	shalt  }
0x84: {  	_ =	shalt  }
0x85: {  	_ =	shalt  }
0x86: {  	_ =	shalt  }
0x87: {  	_ =	shalt  }
.Lfunc_end0:
.L_simem_size_0:
called_computation_lowered:
.L_overlay_start_0:
0x88: {  	s2 =	sld [smem:$0x3FD9]  }
0x89: {  	s3 =	sld [smem:$0x3FFE];
	_ =	sdelay $0x1  }
0x8a: {  	s1 =	srdreg.scid  }
0x8b: {  	s0 =	sand.u32 $0x1, s1  }
0x8c: {  	s17 =	sshll.u32 s0, $0xA;
	s2 =	sadd.s32 s3, s2  }
0x8d: {  	s2 =	sadd.s32 s2, s17  }
0x8e: {  	[smem:$0x3FB9] =	sst s2  }
0x8f: {  	_ = 	snop  }
0x90: {  	s2 =	sld [smem:$0x3FC8]  }
0x91: {  	s18 =	sld [smem:$0x3FC7];
	(tm) =	ssettm $0x1  }
0x92: {  	s4 =	sld [smem:$0x3FFB];
	_ =	sdelay $0x3  }
0x93: {  	_ =	strace s4  }
0x94: {  	s4 =	sld [smem:$0x3FFC];
	_ =	sdelay $0x3  }
0x95: {  	_ =	strace s4  }
0x96: {  	s4 =	sld [smem:$0x3FFD];
	_ =	sdelay $0x3  }
0x97: {  	_ =	strace s4  }
0x98: {  	_ =	strace $0x8FFFFFFF  }
0x99: {  	s19 =	sld [smem:$0x3FDB];
	_ =	sdelay $0x1  }
0x9a: {  	s5 =	simm.s32 $_scs_section_size  }
0x9b: {  	s6 =	simm.s32 $_size__tile_overlayer_lowered;
	s7 =	simm.s32 $_tile_overlayer_lowered  }
0x9c: {  	s22 =	simm.s32 $0x1BFF;
	s21 =	sshll.u32 s7, $0x1;
	s4 =	sadd.s32 s5, s19  }
0x9d: {  	s8 =	simm.s32 $0x0;
	s20 =	sshll.u32 s6, $0x1;
	s6 =	sadd.s32 s21, s4  }
0x9e: {  	[timem:s8], [sflag:s22] =	dma.local [hbm:s6], s20  }
0x9f: {  	_ =	swait.ge [sflag:s22], s20  }
0xa0: {  	s5 =	ssub.s32 $0x0, s20;
	[sflag:s22] =	ssyncset.done $0x0  }
0xa1: {  	[sflag:s22] =	ssyncadd.s32 s5;
	_ =	sdelay $0x1  }
0xa2: {  	s23 =	simm.s32 $0x1B8B  }
0xa3: {  	_ =	swait.ge [sflag:s23], $0x1  }
0xa4: {  	[sflag:s23] =	ssyncset.done $0x0  }
0xa5: {  	s25 =	simm.s32 $0x1B8E;
	s24 =	sld [smem:$0x3FFE];
	[sflag:s23] =	ssyncadd.s32 $0xFFFFFFFF  }
0xa6: {  	s26 =	simm.s32 $execute0_lowered;
	[smem:$0x3FD2] =	sst s25  }
0xa7: {  	s6 =	sshll.u32 s26, $0x1;
	_ =	strace $0x80000046;
	[dreg:$0x1] =	wrdreg $0xFFFFFFFF  }
0xa8: {  	s28 =	simm.s32 $_size_execute0_lowered;
	s4 =	sadd.s32 s4, s6;
	[dreg:$0x0] =	wrdreg $0x0  }
0xa9: {  	s6 =	sshll.u32 s28, $0x1;
	[dreg:$0x2] =	wrdreg s4  }
0xaa: {  	[dreg:$0x3] =	wrdreg s6  }
0xab: {  	[dreg:$0x4] =	wrdreg $0xC0  }
0xac: {  	_ =	task [dreg:s8], $0x5FFFF  }
0xad: {  	[dreg:$0x1] =	wrdreg $0xFFFFFFFF  }
0xae: {  	[dreg:$0x0] =	wrdreg $0x60  }
0xaf: {  	[dreg:$0x2] =	wrdreg s18  }
0xb0: {  	[dreg:$0x3] =	wrdreg s2  }
0xb1: {  	[dreg:$0x4] =	wrdreg s24  }
0xb2: {  	[dreg:$0x5] =	wrdreg $0x9  }
0xb3: {  	_ =	task.clear_ibuf [dreg:s8], $0x6FFFF;
	_ =	strace $0x90000046  }
0xb4: {  	s29 =	simm.s32 $0x9;
	_ =	strace $0x80000048  }
0xb5: {  	_ =	swait.ge [sflag:s29], $0x1  }
0xb6: {  	[sflag:s29] =	ssyncadd.s32 $0xFFFFFFFF  }
0xb7: {  	_ =	strace $0x90000048  }
0xb8: {  	_ =	sfence  }
0xb9: {  	s30 =	sld [smem:$0x0];
	_ =	sdelay $0x2  }
0xba: {  	s31 =	sshll.u32 s1, $0xD;
	s1 =	sshrl.u32 s1, $0x2  }
0xbb: {  	s3 =	sand.u32 $0x4000, s31;
	s1 =	sadd.s32 s1, s30  }
0xbc: {  	s0 =	sor.u32 s3, s0;
	s1 =	sshll.u32 s1, $0x11  }
0xbd: {  	s0 =	sor.u32 s1, s0  }
0xbe: {  	s0 =	sadd.s32 $0x8F2B, s0  }
0xbf: {  	[sflag:s0] =	ssyncadd.remote.s32 $0x1  }
0xc0: {  	_ =	sfence.sel $0xFFFF  }
0xc1: {  	[dreg:$0x0] =	wrdreg $0xFFFFFFFF;
	(pc) =	sbr.abs _section_cstart, $3  }
0xc2: {  	[dreg:$0x1] =	wrdreg $0xFFFFFFFF  }
0xc3: {  	_ =	task.clear_ibuf [dreg:s8], $0x2FFFF;
	_ =	strace $0x9FFFFFFF  }
0xc4: {  	(tm) =	ssettm $0x7FFFFFFF  }
0xc5: {  	_ =	shalt  }
tec
execute0_lowered:
.L_overlay_start_1:
0x0: {  	(tag) =	ssettag $0x1  }
0x1: {  	s1 =	rddreg [dreg:$0x0]  }
0x2: {  	s2 =	rddreg [dreg:$0x1]  }
0x3: {  	s5 =	rddreg [dreg:$0x2];
	s3 =	srdreg.scid  }
0x4: {  	s0 =	rddreg [dreg:$0x3];
	s4 =	simm.s32 $0x0;
	s10 =	simm.s32 $0x3  }
0x5: {  	s11 =	simm.s32 $0x1;
	s12 =	simm.s32 $0x1A700;
	s13 =	simm.s32 $0x2  }
0x6: {  	s14 =	simm.s32 $0x0;
	s6 =	sand.u32 $0x1, s3;
	[smem:$0x7FF] =	sst s4  }
0x7: {  	s3 =	stileid.u32;
	s5 =	sadd.s32 $0x1E00, s5;
	s7 =	ssub.s32 $0x2, s6  }
0x8: {  	_ =	strace $0x80000047;
	s9 =	sshll.u32 s3, $0x1;
	s8 =	sshrl.u32 s7, $0x1  }
0x9: {  	s6 =	sor.u32 s6, s9;
	s9 =	simm.s32 $0x400;
	s7 =	ssub.s32 s7, s8  }
0xa: {  	s6 =	smul.u32 $0xD, s6;
	s8 =	simm.s32 $0x80;
	s7 =	smax.u32 s7, $0x1  }
.LBB2_1:
0xb: {  	s15 =	simm.s32 $0x0  }
.LBB2_2:
0xc: {  	s16 =	sadd.s32 s6, s15  }
0xd: {  	s17 =	sshrl.u32 s16, $0x3  }
0xe: {  	s18 =	sshll.u32 s16, $0x7;
	s17 =	smul.u32 $0xC3800, s17  }
0xf: {  	s18 =	sand.u32 $0x380, s18  }
0x10: {  	s17 =	sor.u32 s18, s17  }
0x11: {  	s29 =	simm.s32 $0x0;
	s17 =	sshrl.u32 s17, $0x3  }
0x12: {  	s30 =	sshll.u32 s16, $0xA;
	s31 =	sshll.u32 s16, $0x3;
	s17 =	sadd.s32 s1, s17  }
0x13: {  	[tilespmem:s29], [sflag:$0x3] =	stream.strided.gather [hbm4b:s17+s8], $0x18700, s9, s8, $0x38;
	[tilespmem:$0x1E700] =	vst v63  }
0x14: {  	s18 =	sand.u32 $0x380, s31;
	s17 =	sand.u32 $0x7FFE0000, s30  }
0x15: {  	s17 =	sor.u32 s18, s17  }
0x16: {  	s19 =	simm.s32 $0x18700;
	_ =	swait.ge [sflag:s10], $0x18700;
	s18 =	sshrl.u32 s17, $0x3  }
0x17: {  	s20 =	simm.s32 $0x80;
	[sflag:s10] =	ssyncset.done $0x0;
	s18 =	sadd.s32 s2, s18  }
0x18: {  	s21 =	simm.s32 $0x18800;
	[sflag:s10] =	ssyncadd.s32 $0xFFFE7900;
	s22 =	sadd.s32 $0x0, s18  }
.LBB2_3:
0x19: {  	[tilespmem:s19], [sflag:$0x1] =	stream.linear.gather [hbm4b:s22+s4], $0x80, $0x38;
	[tilespmem:$0x1E700] =	vst v63  }
0x1a: {  	s22 =	smov.u32 s20;
	s19 =	smov.u32 s21;
	p0 =	sne.s32 s20, $0xF80  }
.Ltmp0:
0x1b: {  	s20 =	sadd.s32 $0x80, s20;
	(pc) =	sbr.rel @p0 .LBB2_3-.Ltmp0, $2  }
0x1c: {  	_ =	sdelay $0x2  }
0x1d: {  	s21 =	sadd.s32 $0x100, s21;
	s22 =	sadd.s32 s22, s18  }
0x1e: {  	[tilespmem:s19], [sflag:$0x1] =	stream.linear.gather [hbm4b:s22+s4], $0x80, $0x38;
	[tilespmem:$0x1E700] =	vst v63  }
0x1f: {  	p0 =	seq.s32 s15, $0x0  }
0x20: {  	s18 =	simm.s32 @!p0 $0x2  }
0x21: {  	_ =	swait.ge @!p0 [sflag:s18], $0x4000  }
0x22: {  	s19 =	simm.s32 $0x0;
	p1 =	por $0x0, $0x0;
	[sflag:s18] =	ssyncset.done @!p0 $0x0  }
0x23: {  	[sflag:s18] =	ssyncadd.s32 @!p0 $0xFFFFC000;
	p0 =	por $0x1, $0x1;
	s18 =	simm.s32 $0x1A740  }
.LBB2_6:
0x24: {  	p2 =	seq.s32 s19, $0x3  }
.Ltmp1:
0x25: {  	_ = 	snop;
	(pc) =	sbr.rel @p2 .LBB2_10-.Ltmp1, $4  }
0x26: {  	_ = 	snop  }
0x27: {  	_ =	swait.ge [sflag:s11], $0x1000  }
0x28: {  	[sflag:s11] =	ssyncset.done $0x0  }
0x29: {  	s19 =	sadd.s32 $0x1, s19;
	[sflag:s11] =	ssyncadd.s32 $0xFFFFF000  }
0x2a: {  	s20 =	simm.s32 $0x1;
	s21 =	sshll.u32 s19, $0xF  }
0x2b: {  	s20 =	simm.s32 @!p0 $0x0;
	s21 =	sadd.s32 s17, s21  }
0x2c: {  	s20 =	sshll.u32 s20, $0x7;
	s21 =	sshrl.u32 s21, $0x3  }
0x2d: {  	s20 =	sor.u32 $0x18700, s20;
	s21 =	sadd.s32 s2, s21  }
0x2e: {  	s22 =	simm.s32 $0x80;
	s24 =	sadd.s32 $0x0, s21;
	s23 =	sadd.s32 $0x100, s20  }
.LBB2_8:
0x2f: {  	[tilespmem:s20], [sflag:$0x1] =	stream.linear.gather [hbm4b:s24+s4], $0x80, $0x38;
	[tilespmem:$0x1E700] =	vst v63  }
0x30: {  	s24 =	smov.u32 s22;
	s20 =	smov.u32 s23;
	p2 =	sne.s32 s22, $0xF80  }
.Ltmp2:
0x31: {  	s22 =	sadd.s32 $0x80, s22;
	(pc) =	sbr.rel @p2 .LBB2_8-.Ltmp2, $2  }
0x32: {  	_ =	sdelay $0x2  }
0x33: {  	s23 =	sadd.s32 $0x100, s23;
	s24 =	sadd.s32 s24, s21  }
0x34: {  	[tilespmem:s20], [sflag:$0x1] =	stream.linear.gather [hbm4b:s24+s4], $0x80, $0x38;
	[tilespmem:$0x1E700] =	vst v63  }
.LBB2_10:
0x35: {  	s20 =	simm.s32 $0x1  }
0x36: {  	s20 =	simm.s32 @!p1 $0x0  }
0x37: {  	s20 =	sshll.u32 s20, $0x7  }
0x38: {  	s21 =	sor.u32 $0x18740, s20  }
0x39: {  	v0 =	vmov s21;
	_ =	sdelay $0x2  }
0x3a: {  	s20 =	simm.s32 $0x0;
	s21 =	smov.u32 s18  }
.LBB2_11:
0x3b: {  	s22 =	sshra.s32 s20, $0x2  }
0x3c: {  	v1 =	vld.idx.msk [tilespmem:v0+s22+$0xFFFFFFC0 ss:$0x1], $0xffff;
	_ =	sdelay $0x7  }
0x3d: {  	v1 =	vld.idx.msk [tilespmem:v1+s4+$0x0], $0xffff;
	_ =	sdelay $0x4  }
0x3e: {  	[tilespmem:s21+$0xFFFFFFC0] =	vst v1  }
0x3f: {  	v1 =	vld.idx.msk [tilespmem:v0+s22+$0xFFFFFFD0 ss:$0x1], $0xffff;
	_ =	sdelay $0x7  }
0x40: {  	v1 =	vld.idx.msk [tilespmem:v1+s4+$0x0], $0xffff;
	_ =	sdelay $0x4  }
0x41: {  	[tilespmem:s21+$0xFFFFFFD0] =	vst v1  }
0x42: {  	v1 =	vld.idx.msk [tilespmem:v0+s22+$0xFFFFFFE0 ss:$0x1], $0xffff;
	_ =	sdelay $0x7  }
0x43: {  	v1 =	vld.idx.msk [tilespmem:v1+s4+$0x0], $0xffff;
	_ =	sdelay $0x4  }
0x44: {  	[tilespmem:s21+$0xFFFFFFE0] =	vst v1  }
0x45: {  	v1 =	vld.idx.msk [tilespmem:v0+s22+$0xFFFFFFF0 ss:$0x1], $0xffff;
	_ =	sdelay $0x7  }
0x46: {  	v1 =	vld.idx.msk [tilespmem:v1+s4+$0x0], $0xffff;
	_ =	sdelay $0x4  }
0x47: {  	[tilespmem:s21+$0xFFFFFFF0] =	vst v1  }
0x48: {  	v1 =	vld.idx.msk [tilespmem:v0+s22+$0x0 ss:$0x1], $0xffff;
	_ =	sdelay $0x7  }
0x49: {  	v1 =	vld.idx.msk [tilespmem:v1+s4+$0x0], $0xffff;
	_ =	sdelay $0x4  }
0x4a: {  	[tilespmem:s21+$0x0] =	vst v1  }
0x4b: {  	v1 =	vld.idx.msk [tilespmem:v0+s22+$0x10 ss:$0x1], $0xffff;
	_ =	sdelay $0x7  }
0x4c: {  	v1 =	vld.idx.msk [tilespmem:v1+s4+$0x0], $0xffff;
	_ =	sdelay $0x4  }
0x4d: {  	[tilespmem:s21+$0x10] =	vst v1  }
0x4e: {  	v1 =	vld.idx.msk [tilespmem:v0+s22+$0x20 ss:$0x1], $0xffff;
	_ =	sdelay $0x7  }
0x4f: {  	v1 =	vld.idx.msk [tilespmem:v1+s4+$0x0], $0xffff;
	_ =	sdelay $0x4  }
0x50: {  	[tilespmem:s21+$0x20] =	vst v1  }
0x51: {  	v1 =	vld.idx.msk [tilespmem:v0+s22+$0x30 ss:$0x1], $0xffff;
	_ =	sdelay $0x7  }
0x52: {  	p2 =	seq.s32 s20, $0x7C00;
	v1 =	vld.idx.msk [tilespmem:v1+s4+$0x0], $0xffff  }
.Ltmp3:
0x53: {  	_ = 	snop;
	(pc) =	sbr.rel @!p2 .LBB2_11-.Ltmp3, $2  }
0x54: {  	_ =	sdelay $0x2  }
0x55: {  	s20 =	sadd.s32 $0x400, s20;
	[tilespmem:s21+$0x30] =	vst v1;
	s21 =	sadd.s32 $0x80, s21  }
0x56: {  	p2 =	seq.s32 s19, $0x4  }
.Ltmp4:
0x57: {  	_ = 	snop;
	(pc) =	sbr.rel @!p2 .LBB2_6-.Ltmp4, $2  }
0x58: {  	_ =	sdelay $0x2  }
0x59: {  	p0 =	por !p0, !p0;
	s18 =	sadd.s32 $0x1000, s18;
	p1 =	por !p1, !p1  }
0x5a: {  	s15 =	sadd.s32 $0x1, s15  }
0x5b: {  	p0 =	sne.s32 s15, $0xD  }
.Ltmp5:
0x5c: {  	s17 =	sshll.u32 s16, $0x4;
	(pc) =	sbr.rel @p0 .LBB2_2-.Ltmp5, $4  }
0x5d: {  	s31 =	sshll.u32 s16, $0xB;
	s17 =	sand.u32 $0x70, s17  }
0x5e: {  	s16 =	sand.u32 $0xFFFC000, s31;
	s17 =	sadd.s32 s5, s17  }
0x5f: {  	s16 =	sadd.s32 s16, s17  }
0x60: {  	[hbm4b:s16+s8] =	stream.strided.scatter [tilespmem:s12], [sflag:$0x2], $0x4000, s9, s8, $0x38;
	[tilespmem:$0x1E700] =	vst v63  }
0x61: {  	s14 =	sadd.s32 $0x1, s14  }
0x62: {  	p0 =	sne.s32 s14, s7  }
.Ltmp6:
0x63: {  	_ = 	snop;
	(pc) =	sbr.rel @p0 .LBB2_1-.Ltmp6, $4  }
0x64: {  	_ = 	snop  }
0x65: {  	_ =	swait.ge [sflag:s13], $0x4000  }
0x66: {  	[sflag:s13] =	ssyncset.done $0x0  }
0x67: {  	[sflag:s13] =	ssyncadd.s32 $0xFFFFC000  }
0x68: {  	_ =	sfence.sel $0x180000  }
0x69: {  	[bflag:$0x0] =	sbarrier.arrive $0xFFFF  }
0x6a: {  	p0 =	sne.s32 s3, $0x0;
	_ =	strace $0x90000047  }
0x6b: {  	s0 =	sadd.s32 @!p0 $0x100000, s0;
	[bflag:$0x2] =	sbarrier.arrive $0xFFFF  }
0x6c: {  	[sflag:s0] =	ssyncadd.tile.s32 @!p0 $0x1;
	_ =	shalt  }
.Lfunc_end2:
_tile_overlayer_lowered:
.L_overlay_start_2:
0x6d: {  	(tag) =	ssettag $0x2  }
0x6e: {  	s0 =	rddreg [dreg:$0x0];
	s2 =	stileid.u32  }
0x6f: {  	s1 =	rddreg [dreg:$0x1];
	p0 =	sne.s32 s2, $0x0  }
0x70: {  	s3 =	rddreg [dreg:$0x2];
	[bflag:$0x3] =	sbarrier.arrive $0xFFFF;
	s2 =	simm.s32 @!p0 $0x1C03  }
0x71: {  	[timem:s3], [sflag:s2] =	dma.local @!p0 [hbm:s0], s1  }
0x72: {  	s0 =	simm.s32 @!p0 $0x3  }
0x73: {  	_ =	swait.ge @!p0 [sflag:s0], s1  }
0x74: {  	s1 =	ssub.s32 @!p0 $0x0, s1;
	[sflag:s0] =	ssyncset.done @!p0 $0x0  }
0x75: {  	[sflag:s0] =	ssyncadd.s32 @!p0 s1  }
0x76: {  	[bflag:$0x3] =	sbarrier.arrive $0xFFFF  }
0x77: {  	_ =	shalt  }

</sc_bundles>
